<compile_context>
chip_gen: v7x
topology: tpu7x:2x2x1
jax: 0.10.2.dev20260603
libtpu: 0.0.44.dev20260713+nightly
codegen_flags: <defaults>
</compile_context>

<pallas_src>
import functools

import jax
import jax.numpy as jnp
from jax import lax
from jax.experimental import pallas as pl
from jax.experimental.pallas import tpu as pltpu
from jax.experimental.pallas import tpu_sc as plsc

N = 10000
DIN = 128
DH = 128
DOUT = 64
E = 320000

NC, NS = 2, 16
NW = NC * NS
CHUNK = 128
CH_PER_W = 80
E_PAD = NW * CH_PER_W * CHUNK
N_ACC = 10112
ROWS_PER_TILE = N_ACC // NS


def _make_sc_agg(D):
    mesh = plsc.VectorSubcoreMesh(
        core_axis_name="c", subcore_axis_name="s", num_cores=NC, num_subcores=NS
    )

    @functools.partial(
        pl.kernel,
        out_type=jax.ShapeDtypeStruct((NC, N_ACC, D), jnp.float32),
        mesh=mesh,
        scratch_types=[
            pltpu.VMEM((CH_PER_W // 2, CHUNK), jnp.int32),
            pltpu.VMEM((CH_PER_W // 2, CHUNK), jnp.int32),
            pltpu.VMEM((CHUNK, D), jnp.float32),
            pltpu.VMEM((CHUNK, D), jnp.float32),
            pltpu.VMEM_SHARED((N_ACC, D), jnp.float32),
            pltpu.SemaphoreType.DMA,
            pltpu.SemaphoreType.DMA,
        ],
    )
    def agg(table, src_hbm, dst_hbm, out, src_v, dst_v, buf, buf1, acc,
            sem, sem1):
        c = lax.axis_index("c")
        s = lax.axis_index("s")
        wid = c * NS + s

        zero = jnp.zeros((16,), jnp.float32)

        @pl.loop(0, CHUNK)
        def _zero_buf(r):
            for k in range(D // 16):
                buf[r, pl.ds(k * 16, 16)] = zero

        row0 = s * ROWS_PER_TILE
        for i in range(0, ROWS_PER_TILE, CHUNK):
            rows = min(CHUNK, ROWS_PER_TILE - i)
            pltpu.sync_copy(buf.at[pl.ds(0, rows)], acc.at[pl.ds(row0 + i, rows)])
        plsc.subcore_barrier()

        def _gather(j, b, sm):
            pltpu.async_copy(table.at[src_v.at[j]], b, sm)

        def _wait(j, b, sm):
            pltpu.make_async_copy(table.at[src_v.at[j]], b, sm).wait()

        half = CH_PER_W // 2
        for hphase in range(2):
            pltpu.sync_copy(src_hbm.at[wid, pl.ds(hphase * half, half)], src_v)
            pltpu.sync_copy(dst_hbm.at[wid, pl.ds(hphase * half, half)], dst_v)
            _gather(0, buf, sem)
            _gather(1, buf1, sem1)

            @pl.loop(0, half, step=2)
            def _edges(j):
                _wait(j, buf, sem)
                pltpu.sync_copy(buf, acc.at[dst_v.at[j]], add=True)

                @pl.when(j + 2 < half)
                def _():
                    _gather(j + 2, buf, sem)

                _wait(j + 1, buf1, sem1)
                pltpu.sync_copy(buf1, acc.at[dst_v.at[j + 1]], add=True)

                @pl.when(j + 3 < half)
                def _():
                    _gather(j + 3, buf1, sem1)

        plsc.subcore_barrier()
        pltpu.sync_copy(acc.at[pl.ds(row0, ROWS_PER_TILE)],
                        out.at[c, pl.ds(row0, ROWS_PER_TILE)])

    return agg


_sc_agg = _make_sc_agg(DIN)


def _tc_mid_body(pa, pb, w1, b1, o):
    h = pa[0] + pb[0]
    h = jnp.dot(h, w1[...], preferred_element_type=jnp.float32) + b1[...]
    o[...] = jnp.maximum(h, 0.0)


def _tc_out_body(pa, pb, w2, b2, o):
    z = pa[0] + pb[0]
    z = jnp.dot(z, w2[...], preferred_element_type=jnp.float32) + b2[...]
    m = jnp.max(z, axis=1, keepdims=True)
    e = jnp.exp(z - m)
    lse = jnp.log(jnp.sum(e, axis=1, keepdims=True))
    o[...] = z - m - lse


_BLK = 2000


def kernel(x, edge_index, W1, b1, W2, b2):
    src = edge_index[0]
    dst = edge_index[1]
    pad = E_PAD - E
    pad_ids = jnp.arange(pad, dtype=jnp.int32)
    src_p = jnp.concatenate([src, pad_ids % N])
    dst_p = jnp.concatenate([dst, N + pad_ids % (N_ACC - N)])
    src3 = src_p.reshape(NW, CH_PER_W, CHUNK)
    dst3 = dst_p.reshape(NW, CH_PER_W, CHUNK)

    p1 = _sc_agg(x, src3, dst3)

    h2 = pl.pallas_call(
        _tc_mid_body,
        grid=(N // _BLK,),
        in_specs=[
            pl.BlockSpec((1, _BLK, DIN), lambda i: (0, i, 0)),
            pl.BlockSpec((1, _BLK, DIN), lambda i: (1, i, 0)),
            pl.BlockSpec((DIN, DH), lambda i: (0, 0)),
            pl.BlockSpec((1, DH), lambda i: (0, 0)),
        ],
        out_specs=pl.BlockSpec((_BLK, DH), lambda i: (i, 0)),
        out_shape=jax.ShapeDtypeStruct((N, DH), jnp.float32),
    )(p1, p1, W1, b1.reshape(1, DH))

    p2 = _sc_agg(h2, src3, dst3)

    out = pl.pallas_call(
        _tc_out_body,
        grid=(N // _BLK,),
        in_specs=[
            pl.BlockSpec((1, _BLK, DH), lambda i: (0, i, 0)),
            pl.BlockSpec((1, _BLK, DH), lambda i: (1, i, 0)),
            pl.BlockSpec((DH, DOUT), lambda i: (0, 0)),
            pl.BlockSpec((1, DOUT), lambda i: (0, 0)),
        ],
        out_specs=pl.BlockSpec((_BLK, DOUT), lambda i: (i, 0)),
        out_shape=jax.ShapeDtypeStruct((N, DOUT), jnp.float32),
    )(p2, p2, W2, b2.reshape(1, DOUT))
    return out

# --- scband reference (transcript-rebuilt; emitter-appended) ---
"""Pipeline reference for scband-gcn-37512244363443 (READ-ONLY COPY).

The authoritative reference and input builder live on the scoring server;
editing this copy changes nothing except your own understanding.
"""

import jax, jax.numpy as jnp
import numpy as np

N = 10000
E = 320000
DIN = 128
DH = 128
DOUT = 64


def setup_inputs(seed: int = 0) -> dict:
    key = jax.random.key(seed)
    ks = jax.random.split(key, 6)
    x = jax.random.normal(ks[0], (N, DIN), dtype=jnp.float32)
    edge_index = jax.random.randint(ks[1], (2, E), 0, N, dtype=jnp.int32)
    W1 = jax.random.normal(ks[2], (DIN, DH), dtype=jnp.float32) * (1.0 / np.sqrt(DIN))
    b1 = jnp.zeros((DH,), dtype=jnp.float32)
    W2 = jax.random.normal(ks[3], (DH, DOUT), dtype=jnp.float32) * (1.0 / np.sqrt(DH))
    b2 = jnp.zeros((DOUT,), dtype=jnp.float32)
    return {"x": x, "edge_index": edge_index, "W1": W1, "b1": b1, "W2": W2, "b2": b2}


def _gcn_conv(x, edge_index, W, b):
    # GCNConv with normalize=False: linear transform, then sum-aggregate messages
    # from source nodes into destination nodes (scatter-add), then add bias.
    h = x @ W
    src = edge_index[0]
    dst = edge_index[1]
    msgs = jnp.take(h, src, axis=0)
    agg = jax.ops.segment_sum(msgs, dst, num_segments=x.shape[0])
    return agg + b


def reference(x, edge_index, W1, b1, W2, b2):
    h = jax.nn.relu(_gcn_conv(x, edge_index, W1, b1))
    # F.dropout with training=False is identity (eval mode)
    out = _gcn_conv(h, edge_index, W2, b2)
    return jax.nn.log_softmax(out, axis=1)

if __name__ == "__main__":
    import jax
    _d = setup_inputs()
    print(jax.jit(kernel)(*tuple(_d.values())))

</pallas_src>

<mosaic_0001>
#map = affine_map<(d0, d1) -> (0, 0)>
#map1 = affine_map<(d0, d1) -> (0, 0, 0)>
module attributes {stable_mosaic.version = 14 : i64} {
  func.func @agg(%arg0: i32, %arg1: i32, %arg2: memref<10000x128xf32, #tpu.memory_space<hbm>>, %arg3: memref<32x80x128xi32, #tpu.memory_space<hbm>>, %arg4: memref<32x80x128xi32, #tpu.memory_space<hbm>>, %arg5: memref<2x10112x128xf32, #tpu.memory_space<hbm>>, %arg6: memref<40x128xi32, #tpu.memory_space<vmem>>, %arg7: memref<40x128xi32, #tpu.memory_space<vmem>>, %arg8: memref<128x128xf32, #tpu.memory_space<vmem>>, %arg9: memref<128x128xf32, #tpu.memory_space<vmem>>, %arg10: memref<10112x128xf32, #tpu.memory_space<vmem_shared>>, %arg11: memref<!tpu.dma_semaphore, #tpu.memory_space<semaphore_mem>>, %arg12: memref<!tpu.dma_semaphore, #tpu.memory_space<semaphore_mem>>) attributes {dimension_semantics = [#tpu.dimension_semantics<core_parallel>, #tpu.dimension_semantics<subcore_parallel>], iteration_bounds = array<i64: 2, 16>, scalar_prefetch = 0 : i64, scratch_operands = 7 : i64, tpu.core_type = #tpu.core_type<sc_vector_subcore>, window_params = [{transform_indices = #map}, {transform_indices = #map1}, {transform_indices = #map1}, {transform_indices = #map1}]} {
    %mul3A = arith.constant 16 : i32
    %mul3A_0 = arith.muli %arg0, %mul3A : i32
    %add3A = arith.addi %mul3A_0, %arg1 : i32
    %broadcast_in_dim3A = arith.constant 0.000000e+00 : f32
    %broadcast_in_dim3A_1 = vector.broadcast %broadcast_in_dim3A : f32 to vector<16xf32>
    %scan3A = arith.constant 0 : i32
    %scan3A_2 = arith.constant 128 : i32
    %scan3A_3 = arith.addi %scan3A, %scan3A_2 : i32
    %scan3A_4 = arith.constant 1 : i32
    scf.for %scan3A_56 = %scan3A to %scan3A_3 step %scan3A_4  : i32 {
      %mul3A_57 = arith.constant 1 : i32
      %mul3A_58 = arith.muli %scan3A_56, %mul3A_57 : i32
      %add3A_59 = arith.constant 0 : i32
      %add3A_60 = arith.addi %add3A_59, %mul3A_58 : i32
      %swap3A = arith.index_cast %add3A_60 : i32 to index
      %swap3A_61 = arith.constant 0 : index
      %swap3A_62 = tpu.vector_load %arg8[%swap3A, %swap3A_61] {strides = array<i32>} : memref<128x128xf32, #tpu.memory_space<vmem>>, vector<1x16xf32>,
      %swap3A_63 = vector.shape_cast %swap3A_62 : vector<1x16xf32> to vector<16xf32>
      %swap3A_64 = vector.shape_cast %broadcast_in_dim3A_1 : vector<16xf32> to vector<1x16xf32>
      tpu.vector_store %arg8[%swap3A, %swap3A_61], %swap3A_64 {strides = array<i32>} : memref<128x128xf32, #tpu.memory_space<vmem>>, vector<1x16xf32>,
      %swap3A_65 = arith.index_cast %add3A_60 : i32 to index
      %swap3A_66 = arith.constant 16 : index
      %swap3A_67 = tpu.vector_load %arg8[%swap3A_65, %swap3A_66] {strides = array<i32>} : memref<128x128xf32, #tpu.memory_space<vmem>>, vector<1x16xf32>,
      %swap3A_68 = vector.shape_cast %swap3A_67 : vector<1x16xf32> to vector<16xf32>
      %swap3A_69 = vector.shape_cast %broadcast_in_dim3A_1 : vector<16xf32> to vector<1x16xf32>
      tpu.vector_store %arg8[%swap3A_65, %swap3A_66], %swap3A_69 {strides = array<i32>} : memref<128x128xf32, #tpu.memory_space<vmem>>, vector<1x16xf32>,
      %swap3A_70 = arith.index_cast %add3A_60 : i32 to index
      %swap3A_71 = arith.constant 32 : index
      %swap3A_72 = tpu.vector_load %arg8[%swap3A_70, %swap3A_71] {strides = array<i32>} : memref<128x128xf32, #tpu.memory_space<vmem>>, vector<1x16xf32>,
      %swap3A_73 = vector.shape_cast %swap3A_72 : vector<1x16xf32> to vector<16xf32>
      %swap3A_74 = vector.shape_cast %broadcast_in_dim3A_1 : vector<16xf32> to vector<1x16xf32>
      tpu.vector_store %arg8[%swap3A_70, %swap3A_71], %swap3A_74 {strides = array<i32>} : memref<128x128xf32, #tpu.memory_space<vmem>>, vector<1x16xf32>,
      %swap3A_75 = arith.index_cast %add3A_60 : i32 to index
      %swap3A_76 = arith.constant 48 : index
      %swap3A_77 = tpu.vector_load %arg8[%swap3A_75, %swap3A_76] {strides = array<i32>} : memref<128x128xf32, #tpu.memory_space<vmem>>, vector<1x16xf32>,
      %swap3A_78 = vector.shape_cast %swap3A_77 : vector<1x16xf32> to vector<16xf32>
      %swap3A_79 = vector.shape_cast %broadcast_in_dim3A_1 : vector<16xf32> to vector<1x16xf32>
      tpu.vector_store %arg8[%swap3A_75, %swap3A_76], %swap3A_79 {strides = array<i32>} : memref<128x128xf32, #tpu.memory_space<vmem>>, vector<1x16xf32>,
      %swap3A_80 = arith.index_cast %add3A_60 : i32 to index
      %swap3A_81 = arith.constant 64 : index
      %swap3A_82 = tpu.vector_load %arg8[%swap3A_80, %swap3A_81] {strides = array<i32>} : memref<128x128xf32, #tpu.memory_space<vmem>>, vector<1x16xf32>,
      %swap3A_83 = vector.shape_cast %swap3A_82 : vector<1x16xf32> to vector<16xf32>
      %swap3A_84 = vector.shape_cast %broadcast_in_dim3A_1 : vector<16xf32> to vector<1x16xf32>
      tpu.vector_store %arg8[%swap3A_80, %swap3A_81], %swap3A_84 {strides = array<i32>} : memref<128x128xf32, #tpu.memory_space<vmem>>, vector<1x16xf32>,
      %swap3A_85 = arith.index_cast %add3A_60 : i32 to index
      %swap3A_86 = arith.constant 80 : index
      %swap3A_87 = tpu.vector_load %arg8[%swap3A_85, %swap3A_86] {strides = array<i32>} : memref<128x128xf32, #tpu.memory_space<vmem>>, vector<1x16xf32>,
      %swap3A_88 = vector.shape_cast %swap3A_87 : vector<1x16xf32> to vector<16xf32>
      %swap3A_89 = vector.shape_cast %broadcast_in_dim3A_1 : vector<16xf32> to vector<1x16xf32>
      tpu.vector_store %arg8[%swap3A_85, %swap3A_86], %swap3A_89 {strides = array<i32>} : memref<128x128xf32, #tpu.memory_space<vmem>>, vector<1x16xf32>,
      %swap3A_90 = arith.index_cast %add3A_60 : i32 to index
      %swap3A_91 = arith.constant 96 : index
      %swap3A_92 = tpu.vector_load %arg8[%swap3A_90, %swap3A_91] {strides = array<i32>} : memref<128x128xf32, #tpu.memory_space<vmem>>, vector<1x16xf32>,
      %swap3A_93 = vector.shape_cast %swap3A_92 : vector<1x16xf32> to vector<16xf32>
      %swap3A_94 = vector.shape_cast %broadcast_in_dim3A_1 : vector<16xf32> to vector<1x16xf32>
      tpu.vector_store %arg8[%swap3A_90, %swap3A_91], %swap3A_94 {strides = array<i32>} : memref<128x128xf32, #tpu.memory_space<vmem>>, vector<1x16xf32>,
      %swap3A_95 = arith.index_cast %add3A_60 : i32 to index
      %swap3A_96 = arith.constant 112 : index
      %swap3A_97 = tpu.vector_load %arg8[%swap3A_95, %swap3A_96] {strides = array<i32>} : memref<128x128xf32, #tpu.memory_space<vmem>>, vector<1x16xf32>,
      %swap3A_98 = vector.shape_cast %swap3A_97 : vector<1x16xf32> to vector<16xf32>
      %swap3A_99 = vector.shape_cast %broadcast_in_dim3A_1 : vector<16xf32> to vector<1x16xf32>
      tpu.vector_store %arg8[%swap3A_95, %swap3A_96], %swap3A_99 {strides = array<i32>} : memref<128x128xf32, #tpu.memory_space<vmem>>, vector<1x16xf32>,
    }
    %scan3A_5 = arith.constant 128 : i32
    %mul3A_6 = arith.constant 632 : i32
    %mul3A_7 = arith.muli %arg1, %mul3A_6 : i32
    %add3A_8 = arith.constant 0 : i32
    %add3A_9 = arith.addi %mul3A_7, %add3A_8 : i32
    "tpu.region"() ({
      %run_scoped3A = tpu.sem_alloc : memref<!tpu.dma_semaphore, #tpu.memory_space<semaphore_mem>>
      %dma_start3A_56 = arith.constant 0 : i32
      %dma_start3A_57 = arith.constant 0 : i32
      %dma_start3A_58 = tpu.memref_slice %arg8[%dma_start3A_56, %dma_start3A_57] : memref<128x128xf32, #tpu.memory_space<vmem>> -> memref<128x128xf32, #tpu.memory_space<vmem>>
      %dma_start3A_59 = arith.constant 0 : i32
      %dma_start3A_60 = tpu.memref_slice %arg10[%add3A_9, %dma_start3A_59] : memref<10112x128xf32, #tpu.memory_space<vmem_shared>> -> memref<128x128xf32, #tpu.memory_space<vmem_shared>>
      %dma_start3A_61 = arith.constant 0 : i32
      %dma_start3A_62 = tpu.memref_slice %arg10[%add3A_9, %dma_start3A_61] : memref<10112x128xf32, #tpu.memory_space<vmem_shared>> -> memref<128x128xf32, #tpu.memory_space<vmem_shared>>
      %dma_start3A_63 = arith.constant 0 : i32
      %dma_start3A_64 = arith.constant 0 : i32
      %dma_start3A_65 = tpu.memref_slice %arg8[%dma_start3A_63, %dma_start3A_64] : memref<128x128xf32, #tpu.memory_space<vmem>> -> memref<128x128xf32, #tpu.memory_space<vmem>>
      tpu.enqueue_dma source(%dma_start3A_65 : memref<128x128xf32, #tpu.memory_space<vmem>>) target(%dma_start3A_62 : memref<128x128xf32, #tpu.memory_space<vmem_shared>>) target_semaphore(%run_scoped3A : memref<!tpu.dma_semaphore, #tpu.memory_space<semaphore_mem>>)
      %dma_wait3A = arith.constant 0 : i32
      %dma_wait3A_66 = arith.constant 0 : i32
      %dma_wait3A_67 = tpu.memref_slice %arg8[%dma_wait3A, %dma_wait3A_66] : memref<128x128xf32, #tpu.memory_space<vmem>> -> memref<128x128xf32, #tpu.memory_space<vmem>>
      %dma_wait3A_68 = arith.constant 0 : i32
      %dma_wait3A_69 = tpu.memref_slice %arg10[%add3A_9, %dma_wait3A_68] : memref<10112x128xf32, #tpu.memory_space<vmem_shared>> -> memref<128x128xf32, #tpu.memory_space<vmem_shared>>
      %dma_wait3A_70 = arith.constant 0 : i32
      %dma_wait3A_71 = tpu.memref_slice %arg10[%add3A_9, %dma_wait3A_70] : memref<10112x128xf32, #tpu.memory_space<vmem_shared>> -> memref<128x128xf32, #tpu.memory_space<vmem_shared>>
      %dma_wait3A_72 = arith.constant 0 : i32
      %dma_wait3A_73 = arith.constant 0 : i32
      %dma_wait3A_74 = tpu.memref_slice %arg8[%dma_wait3A_72, %dma_wait3A_73] : memref<128x128xf32, #tpu.memory_space<vmem>> -> memref<128x128xf32, #tpu.memory_space<vmem>>
      tpu.wait_dma2 semaphore(%run_scoped3A : memref<!tpu.dma_semaphore, #tpu.memory_space<semaphore_mem>>) src(%dma_wait3A_74 : memref<128x128xf32, #tpu.memory_space<vmem>>) dst(%dma_wait3A_71 : memref<128x128xf32, #tpu.memory_space<vmem_shared>>)
      tpu.yield
    }) : () -> ()
    %add3A_10 = arith.constant 128 : i32
    %add3A_11 = arith.addi %mul3A_7, %add3A_10 : i32
    "tpu.region"() ({
      %run_scoped3A = tpu.sem_alloc : memref<!tpu.dma_semaphore, #tpu.memory_space<semaphore_mem>>
      %dma_start3A_56 = arith.constant 0 : i32
      %dma_start3A_57 = arith.constant 0 : i32
      %dma_start3A_58 = tpu.memref_slice %arg8[%dma_start3A_56, %dma_start3A_57] : memref<128x128xf32, #tpu.memory_space<vmem>> -> memref<128x128xf32, #tpu.memory_space<vmem>>
      %dma_start3A_59 = arith.constant 0 : i32
      %dma_start3A_60 = tpu.memref_slice %arg10[%add3A_11, %dma_start3A_59] : memref<10112x128xf32, #tpu.memory_space<vmem_shared>> -> memref<128x128xf32, #tpu.memory_space<vmem_shared>>
      %dma_start3A_61 = arith.constant 0 : i32
      %dma_start3A_62 = tpu.memref_slice %arg10[%add3A_11, %dma_start3A_61] : memref<10112x128xf32, #tpu.memory_space<vmem_shared>> -> memref<128x128xf32, #tpu.memory_space<vmem_shared>>
      %dma_start3A_63 = arith.constant 0 : i32
      %dma_start3A_64 = arith.constant 0 : i32
      %dma_start3A_65 = tpu.memref_slice %arg8[%dma_start3A_63, %dma_start3A_64] : memref<128x128xf32, #tpu.memory_space<vmem>> -> memref<128x128xf32, #tpu.memory_space<vmem>>
      tpu.enqueue_dma source(%dma_start3A_65 : memref<128x128xf32, #tpu.memory_space<vmem>>) target(%dma_start3A_62 : memref<128x128xf32, #tpu.memory_space<vmem_shared>>) target_semaphore(%run_scoped3A : memref<!tpu.dma_semaphore, #tpu.memory_space<semaphore_mem>>)
      %dma_wait3A = arith.constant 0 : i32
      %dma_wait3A_66 = arith.constant 0 : i32
      %dma_wait3A_67 = tpu.memref_slice %arg8[%dma_wait3A, %dma_wait3A_66] : memref<128x128xf32, #tpu.memory_space<vmem>> -> memref<128x128xf32, #tpu.memory_space<vmem>>
      %dma_wait3A_68 = arith.constant 0 : i32
      %dma_wait3A_69 = tpu.memref_slice %arg10[%add3A_11, %dma_wait3A_68] : memref<10112x128xf32, #tpu.memory_space<vmem_shared>> -> memref<128x128xf32, #tpu.memory_space<vmem_shared>>
      %dma_wait3A_70 = arith.constant 0 : i32
      %dma_wait3A_71 = tpu.memref_slice %arg10[%add3A_11, %dma_wait3A_70] : memref<10112x128xf32, #tpu.memory_space<vmem_shared>> -> memref<128x128xf32, #tpu.memory_space<vmem_shared>>
      %dma_wait3A_72 = arith.constant 0 : i32
      %dma_wait3A_73 = arith.constant 0 : i32
      %dma_wait3A_74 = tpu.memref_slice %arg8[%dma_wait3A_72, %dma_wait3A_73] : memref<128x128xf32, #tpu.memory_space<vmem>> -> memref<128x128xf32, #tpu.memory_space<vmem>>
      tpu.wait_dma2 semaphore(%run_scoped3A : memref<!tpu.dma_semaphore, #tpu.memory_space<semaphore_mem>>) src(%dma_wait3A_74 : memref<128x128xf32, #tpu.memory_space<vmem>>) dst(%dma_wait3A_71 : memref<128x128xf32, #tpu.memory_space<vmem_shared>>)
      tpu.yield
    }) : () -> ()
    %add3A_12 = arith.constant 256 : i32
    %add3A_13 = arith.addi %mul3A_7, %add3A_12 : i32
    "tpu.region"() ({
      %run_scoped3A = tpu.sem_alloc : memref<!tpu.dma_semaphore, #tpu.memory_space<semaphore_mem>>
      %dma_start3A_56 = arith.constant 0 : i32
      %dma_start3A_57 = arith.constant 0 : i32
      %dma_start3A_58 = tpu.memref_slice %arg8[%dma_start3A_56, %dma_start3A_57] : memref<128x128xf32, #tpu.memory_space<vmem>> -> memref<128x128xf32, #tpu.memory_space<vmem>>
      %dma_start3A_59 = arith.constant 0 : i32
      %dma_start3A_60 = tpu.memref_slice %arg10[%add3A_13, %dma_start3A_59] : memref<10112x128xf32, #tpu.memory_space<vmem_shared>> -> memref<128x128xf32, #tpu.memory_space<vmem_shared>>
      %dma_start3A_61 = arith.constant 0 : i32
      %dma_start3A_62 = tpu.memref_slice %arg10[%add3A_13, %dma_start3A_61] : memref<10112x128xf32, #tpu.memory_space<vmem_shared>> -> memref<128x128xf32, #tpu.memory_space<vmem_shared>>
      %dma_start3A_63 = arith.constant 0 : i32
      %dma_start3A_64 = arith.constant 0 : i32
      %dma_start3A_65 = tpu.memref_slice %arg8[%dma_start3A_63, %dma_start3A_64] : memref<128x128xf32, #tpu.memory_space<vmem>> -> memref<128x128xf32, #tpu.memory_space<vmem>>
      tpu.enqueue_dma source(%dma_start3A_65 : memref<128x128xf32, #tpu.memory_space<vmem>>) target(%dma_start3A_62 : memref<128x128xf32, #tpu.memory_space<vmem_shared>>) target_semaphore(%run_scoped3A : memref<!tpu.dma_semaphore, #tpu.memory_space<semaphore_mem>>)
      %dma_wait3A = arith.constant 0 : i32
      %dma_wait3A_66 = arith.constant 0 : i32
      %dma_wait3A_67 = tpu.memref_slice %arg8[%dma_wait3A, %dma_wait3A_66] : memref<128x128xf32, #tpu.memory_space<vmem>> -> memref<128x128xf32, #tpu.memory_space<vmem>>
      %dma_wait3A_68 = arith.constant 0 : i32
      %dma_wait3A_69 = tpu.memref_slice %arg10[%add3A_13, %dma_wait3A_68] : memref<10112x128xf32, #tpu.memory_space<vmem_shared>> -> memref<128x128xf32, #tpu.memory_space<vmem_shared>>
      %dma_wait3A_70 = arith.constant 0 : i32
      %dma_wait3A_71 = tpu.memref_slice %arg10[%add3A_13, %dma_wait3A_70] : memref<10112x128xf32, #tpu.memory_space<vmem_shared>> -> memref<128x128xf32, #tpu.memory_space<vmem_shared>>
      %dma_wait3A_72 = arith.constant 0 : i32
      %dma_wait3A_73 = arith.constant 0 : i32
      %dma_wait3A_74 = tpu.memref_slice %arg8[%dma_wait3A_72, %dma_wait3A_73] : memref<128x128xf32, #tpu.memory_space<vmem>> -> memref<128x128xf32, #tpu.memory_space<vmem>>
      tpu.wait_dma2 semaphore(%run_scoped3A : memref<!tpu.dma_semaphore, #tpu.memory_space<semaphore_mem>>) src(%dma_wait3A_74 : memref<128x128xf32, #tpu.memory_space<vmem>>) dst(%dma_wait3A_71 : memref<128x128xf32, #tpu.memory_space<vmem_shared>>)
      tpu.yield
    }) : () -> ()
    %add3A_14 = arith.constant 384 : i32
    %add3A_15 = arith.addi %mul3A_7, %add3A_14 : i32
    "tpu.region"() ({
      %run_scoped3A = tpu.sem_alloc : memref<!tpu.dma_semaphore, #tpu.memory_space<semaphore_mem>>
      %dma_start3A_56 = arith.constant 0 : i32
      %dma_start3A_57 = arith.constant 0 : i32
      %dma_start3A_58 = tpu.memref_slice %arg8[%dma_start3A_56, %dma_start3A_57] : memref<128x128xf32, #tpu.memory_space<vmem>> -> memref<128x128xf32, #tpu.memory_space<vmem>>
      %dma_start3A_59 = arith.constant 0 : i32
      %dma_start3A_60 = tpu.memref_slice %arg10[%add3A_15, %dma_start3A_59] : memref<10112x128xf32, #tpu.memory_space<vmem_shared>> -> memref<128x128xf32, #tpu.memory_space<vmem_shared>>
      %dma_start3A_61 = arith.constant 0 : i32
      %dma_start3A_62 = tpu.memref_slice %arg10[%add3A_15, %dma_start3A_61] : memref<10112x128xf32, #tpu.memory_space<vmem_shared>> -> memref<128x128xf32, #tpu.memory_space<vmem_shared>>
      %dma_start3A_63 = arith.constant 0 : i32
      %dma_start3A_64 = arith.constant 0 : i32
      %dma_start3A_65 = tpu.memref_slice %arg8[%dma_start3A_63, %dma_start3A_64] : memref<128x128xf32, #tpu.memory_space<vmem>> -> memref<128x128xf32, #tpu.memory_space<vmem>>
      tpu.enqueue_dma source(%dma_start3A_65 : memref<128x128xf32, #tpu.memory_space<vmem>>) target(%dma_start3A_62 : memref<128x128xf32, #tpu.memory_space<vmem_shared>>) target_semaphore(%run_scoped3A : memref<!tpu.dma_semaphore, #tpu.memory_space<semaphore_mem>>)
      %dma_wait3A = arith.constant 0 : i32
      %dma_wait3A_66 = arith.constant 0 : i32
      %dma_wait3A_67 = tpu.memref_slice %arg8[%dma_wait3A, %dma_wait3A_66] : memref<128x128xf32, #tpu.memory_space<vmem>> -> memref<128x128xf32, #tpu.memory_space<vmem>>
      %dma_wait3A_68 = arith.constant 0 : i32
      %dma_wait3A_69 = tpu.memref_slice %arg10[%add3A_15, %dma_wait3A_68] : memref<10112x128xf32, #tpu.memory_space<vmem_shared>> -> memref<128x128xf32, #tpu.memory_space<vmem_shared>>
      %dma_wait3A_70 = arith.constant 0 : i32
      %dma_wait3A_71 = tpu.memref_slice %arg10[%add3A_15, %dma_wait3A_70] : memref<10112x128xf32, #tpu.memory_space<vmem_shared>> -> memref<128x128xf32, #tpu.memory_space<vmem_shared>>
      %dma_wait3A_72 = arith.constant 0 : i32
      %dma_wait3A_73 = arith.constant 0 : i32
      %dma_wait3A_74 = tpu.memref_slice %arg8[%dma_wait3A_72, %dma_wait3A_73] : memref<128x128xf32, #tpu.memory_space<vmem>> -> memref<128x128xf32, #tpu.memory_space<vmem>>
      tpu.wait_dma2 semaphore(%run_scoped3A : memref<!tpu.dma_semaphore, #tpu.memory_space<semaphore_mem>>) src(%dma_wait3A_74 : memref<128x128xf32, #tpu.memory_space<vmem>>) dst(%dma_wait3A_71 : memref<128x128xf32, #tpu.memory_space<vmem_shared>>)
      tpu.yield
    }) : () -> ()
    %add3A_16 = arith.constant 512 : i32
    %add3A_17 = arith.addi %mul3A_7, %add3A_16 : i32
    "tpu.region"() ({
      %run_scoped3A = tpu.sem_alloc : memref<!tpu.dma_semaphore, #tpu.memory_space<semaphore_mem>>
      %dma_start3A_56 = arith.constant 0 : i32
      %dma_start3A_57 = arith.constant 0 : i32
      %dma_start3A_58 = tpu.memref_slice %arg8[%dma_start3A_56, %dma_start3A_57] : memref<128x128xf32, #tpu.memory_space<vmem>> -> memref<120x128xf32, #tpu.memory_space<vmem>>
      %dma_start3A_59 = arith.constant 0 : i32
      %dma_start3A_60 = tpu.memref_slice %arg10[%add3A_17, %dma_start3A_59] : memref<10112x128xf32, #tpu.memory_space<vmem_shared>> -> memref<120x128xf32, #tpu.memory_space<vmem_shared>>
      %dma_start3A_61 = arith.constant 0 : i32
      %dma_start3A_62 = tpu.memref_slice %arg10[%add3A_17, %dma_start3A_61] : memref<10112x128xf32, #tpu.memory_space<vmem_shared>> -> memref<120x128xf32, #tpu.memory_space<vmem_shared>>
      %dma_start3A_63 = arith.constant 0 : i32
      %dma_start3A_64 = arith.constant 0 : i32
      %dma_start3A_65 = tpu.memref_slice %arg8[%dma_start3A_63, %dma_start3A_64] : memref<128x128xf32, #tpu.memory_space<vmem>> -> memref<120x128xf32, #tpu.memory_space<vmem>>
      tpu.enqueue_dma source(%dma_start3A_65 : memref<120x128xf32, #tpu.memory_space<vmem>>) target(%dma_start3A_62 : memref<120x128xf32, #tpu.memory_space<vmem_shared>>) target_semaphore(%run_scoped3A : memref<!tpu.dma_semaphore, #tpu.memory_space<semaphore_mem>>)
      %dma_wait3A = arith.constant 0 : i32
      %dma_wait3A_66 = arith.constant 0 : i32
      %dma_wait3A_67 = tpu.memref_slice %arg8[%dma_wait3A, %dma_wait3A_66] : memref<128x128xf32, #tpu.memory_space<vmem>> -> memref<120x128xf32, #tpu.memory_space<vmem>>
      %dma_wait3A_68 = arith.constant 0 : i32
      %dma_wait3A_69 = tpu.memref_slice %arg10[%add3A_17, %dma_wait3A_68] : memref<10112x128xf32, #tpu.memory_space<vmem_shared>> -> memref<120x128xf32, #tpu.memory_space<vmem_shared>>
      %dma_wait3A_70 = arith.constant 0 : i32
      %dma_wait3A_71 = tpu.memref_slice %arg10[%add3A_17, %dma_wait3A_70] : memref<10112x128xf32, #tpu.memory_space<vmem_shared>> -> memref<120x128xf32, #tpu.memory_space<vmem_shared>>
      %dma_wait3A_72 = arith.constant 0 : i32
      %dma_wait3A_73 = arith.constant 0 : i32
      %dma_wait3A_74 = tpu.memref_slice %arg8[%dma_wait3A_72, %dma_wait3A_73] : memref<128x128xf32, #tpu.memory_space<vmem>> -> memref<120x128xf32, #tpu.memory_space<vmem>>
      tpu.wait_dma2 semaphore(%run_scoped3A : memref<!tpu.dma_semaphore, #tpu.memory_space<semaphore_mem>>) src(%dma_wait3A_74 : memref<120x128xf32, #tpu.memory_space<vmem>>) dst(%dma_wait3A_71 : memref<120x128xf32, #tpu.memory_space<vmem_shared>>)
      tpu.yield
    }) : () -> ()
    %barrier3A = arith.constant 0 : index
    tpu.barrier barrier_id(%barrier3A)
    "tpu.region"() ({
      %run_scoped3A = tpu.sem_alloc : memref<!tpu.dma_semaphore, #tpu.memory_space<semaphore_mem>>
      %dma_start3A_56 = arith.constant 0 : i32
      %dma_start3A_57 = arith.constant 0 : i32
      %dma_start3A_58 = tpu.memref_slice %arg3[%add3A, %dma_start3A_56, %dma_start3A_57] : memref<32x80x128xi32, #tpu.memory_space<hbm>> -> memref<1x40x128xi32, #tpu.memory_space<hbm>>
      %dma_start3A_59 = tpu.memref_squeeze %dma_start3A_58 : memref<1x40x128xi32, #tpu.memory_space<hbm>> -> memref<40x128xi32, #tpu.memory_space<hbm>>
      %dma_start3A_60 = arith.constant 0 : i32
      %dma_start3A_61 = arith.constant 0 : i32
      %dma_start3A_62 = tpu.memref_slice %arg3[%add3A, %dma_start3A_60, %dma_start3A_61] : memref<32x80x128xi32, #tpu.memory_space<hbm>> -> memref<1x40x128xi32, #tpu.memory_space<hbm>>
      %dma_start3A_63 = tpu.memref_squeeze %dma_start3A_62 : memref<1x40x128xi32, #tpu.memory_space<hbm>> -> memref<40x128xi32, #tpu.memory_space<hbm>>
      tpu.enqueue_dma source(%dma_start3A_63 : memref<40x128xi32, #tpu.memory_space<hbm>>) target(%arg6 : memref<40x128xi32, #tpu.memory_space<vmem>>) target_semaphore(%run_scoped3A : memref<!tpu.dma_semaphore, #tpu.memory_space<semaphore_mem>>)
      %dma_wait3A = arith.constant 0 : i32
      %dma_wait3A_64 = arith.constant 0 : i32
      %dma_wait3A_65 = tpu.memref_slice %arg3[%add3A, %dma_wait3A, %dma_wait3A_64] : memref<32x80x128xi32, #tpu.memory_space<hbm>> -> memref<1x40x128xi32, #tpu.memory_space<hbm>>
      %dma_wait3A_66 = tpu.memref_squeeze %dma_wait3A_65 : memref<1x40x128xi32, #tpu.memory_space<hbm>> -> memref<40x128xi32, #tpu.memory_space<hbm>>
      %dma_wait3A_67 = arith.constant 0 : i32
      %dma_wait3A_68 = arith.constant 0 : i32
      %dma_wait3A_69 = tpu.memref_slice %arg3[%add3A, %dma_wait3A_67, %dma_wait3A_68] : memref<32x80x128xi32, #tpu.memory_space<hbm>> -> memref<1x40x128xi32, #tpu.memory_space<hbm>>
      %dma_wait3A_70 = tpu.memref_squeeze %dma_wait3A_69 : memref<1x40x128xi32, #tpu.memory_space<hbm>> -> memref<40x128xi32, #tpu.memory_space<hbm>>
      tpu.wait_dma2 semaphore(%run_scoped3A : memref<!tpu.dma_semaphore, #tpu.memory_space<semaphore_mem>>) src(%dma_wait3A_70 : memref<40x128xi32, #tpu.memory_space<hbm>>) dst(%arg6 : memref<40x128xi32, #tpu.memory_space<vmem>>)
      tpu.yield
    }) : () -> ()
    "tpu.region"() ({
      %run_scoped3A = tpu.sem_alloc : memref<!tpu.dma_semaphore, #tpu.memory_space<semaphore_mem>>
      %dma_start3A_56 = arith.constant 0 : i32
      %dma_start3A_57 = arith.constant 0 : i32
      %dma_start3A_58 = tpu.memref_slice %arg4[%add3A, %dma_start3A_56, %dma_start3A_57] : memref<32x80x128xi32, #tpu.memory_space<hbm>> -> memref<1x40x128xi32, #tpu.memory_space<hbm>>
      %dma_start3A_59 = tpu.memref_squeeze %dma_start3A_58 : memref<1x40x128xi32, #tpu.memory_space<hbm>> -> memref<40x128xi32, #tpu.memory_space<hbm>>
      %dma_start3A_60 = arith.constant 0 : i32
      %dma_start3A_61 = arith.constant 0 : i32
      %dma_start3A_62 = tpu.memref_slice %arg4[%add3A, %dma_start3A_60, %dma_start3A_61] : memref<32x80x128xi32, #tpu.memory_space<hbm>> -> memref<1x40x128xi32, #tpu.memory_space<hbm>>
      %dma_start3A_63 = tpu.memref_squeeze %dma_start3A_62 : memref<1x40x128xi32, #tpu.memory_space<hbm>> -> memref<40x128xi32, #tpu.memory_space<hbm>>
      tpu.enqueue_dma source(%dma_start3A_63 : memref<40x128xi32, #tpu.memory_space<hbm>>) target(%arg7 : memref<40x128xi32, #tpu.memory_space<vmem>>) target_semaphore(%run_scoped3A : memref<!tpu.dma_semaphore, #tpu.memory_space<semaphore_mem>>)
      %dma_wait3A = arith.constant 0 : i32
      %dma_wait3A_64 = arith.constant 0 : i32
      %dma_wait3A_65 = tpu.memref_slice %arg4[%add3A, %dma_wait3A, %dma_wait3A_64] : memref<32x80x128xi32, #tpu.memory_space<hbm>> -> memref<1x40x128xi32, #tpu.memory_space<hbm>>
      %dma_wait3A_66 = tpu.memref_squeeze %dma_wait3A_65 : memref<1x40x128xi32, #tpu.memory_space<hbm>> -> memref<40x128xi32, #tpu.memory_space<hbm>>
      %dma_wait3A_67 = arith.constant 0 : i32
      %dma_wait3A_68 = arith.constant 0 : i32
      %dma_wait3A_69 = tpu.memref_slice %arg4[%add3A, %dma_wait3A_67, %dma_wait3A_68] : memref<32x80x128xi32, #tpu.memory_space<hbm>> -> memref<1x40x128xi32, #tpu.memory_space<hbm>>
      %dma_wait3A_70 = tpu.memref_squeeze %dma_wait3A_69 : memref<1x40x128xi32, #tpu.memory_space<hbm>> -> memref<40x128xi32, #tpu.memory_space<hbm>>
      tpu.wait_dma2 semaphore(%run_scoped3A : memref<!tpu.dma_semaphore, #tpu.memory_space<semaphore_mem>>) src(%dma_wait3A_70 : memref<40x128xi32, #tpu.memory_space<hbm>>) dst(%arg7 : memref<40x128xi32, #tpu.memory_space<vmem>>)
      tpu.yield
    }) : () -> ()
    %dma_start3A = arith.constant 0 : i32
    %dma_start3A_18 = arith.constant 0 : i32
    %dma_start3A_19 = tpu.memref_slice %arg6[%dma_start3A, %dma_start3A_18] : memref<40x128xi32, #tpu.memory_space<vmem>> -> memref<1x128xi32, #tpu.memory_space<vmem>>
    %dma_start3A_20 = tpu.memref_squeeze %dma_start3A_19 : memref<1x128xi32, #tpu.memory_space<vmem>> -> memref<128xi32, #tpu.memory_space<vmem>>
    %dma_start3A_21 = arith.constant 0 : i32
    %dma_start3A_22 = arith.constant 0 : i32
    %dma_start3A_23 = tpu.memref_slice %arg2[%dma_start3A_21, %dma_start3A_22] : memref<10000x128xf32, #tpu.memory_space<hbm>> -> memref<10000x128xf32, #tpu.memory_space<hbm>>
    tpu.enqueue_indirect_dma source(%dma_start3A_23 : memref<10000x128xf32, #tpu.memory_space<hbm>>) target(%arg8 : memref<128x128xf32, #tpu.memory_space<vmem>>) offsets(%dma_start3A_20 : memref<128xi32, #tpu.memory_space<vmem>>) semaphore(%arg11 : memref<!tpu.dma_semaphore, #tpu.memory_space<semaphore_mem>>)
    %dma_start3A_24 = arith.constant 1 : i32
    %dma_start3A_25 = arith.constant 0 : i32
    %dma_start3A_26 = tpu.memref_slice %arg6[%dma_start3A_24, %dma_start3A_25] : memref<40x128xi32, #tpu.memory_space<vmem>> -> memref<1x128xi32, #tpu.memory_space<vmem>>
    %dma_start3A_27 = tpu.memref_squeeze %dma_start3A_26 : memref<1x128xi32, #tpu.memory_space<vmem>> -> memref<128xi32, #tpu.memory_space<vmem>>
    %dma_start3A_28 = arith.constant 0 : i32
    %dma_start3A_29 = arith.constant 0 : i32
    %dma_start3A_30 = tpu.memref_slice %arg2[%dma_start3A_28, %dma_start3A_29] : memref<10000x128xf32, #tpu.memory_space<hbm>> -> memref<10000x128xf32, #tpu.memory_space<hbm>>
    tpu.enqueue_indirect_dma source(%dma_start3A_30 : memref<10000x128xf32, #tpu.memory_space<hbm>>) target(%arg9 : memref<128x128xf32, #tpu.memory_space<vmem>>) offsets(%dma_start3A_27 : memref<128xi32, #tpu.memory_space<vmem>>) semaphore(%arg12 : memref<!tpu.dma_semaphore, #tpu.memory_space<semaphore_mem>>)
    %scan3A_31 = arith.constant 0 : i32
    %scan3A_32 = arith.constant 20 : i32
    %scan3A_33 = arith.addi %scan3A_31, %scan3A_32 : i32
    %scan3A_34 = arith.constant 1 : i32
    scf.for %scan3A_56 = %scan3A_31 to %scan3A_33 step %scan3A_34  : i32 {
      %mul3A_57 = arith.constant 2 : i32
      %mul3A_58 = arith.muli %scan3A_56, %mul3A_57 : i32
      %add3A_59 = arith.constant 0 : i32
      %add3A_60 = arith.addi %add3A_59, %mul3A_58 : i32
      %dma_wait3A = arith.constant 0 : i32
      %dma_wait3A_61 = tpu.memref_slice %arg6[%add3A_60, %dma_wait3A] : memref<40x128xi32, #tpu.memory_space<vmem>> -> memref<1x128xi32, #tpu.memory_space<vmem>>
      %dma_wait3A_62 = tpu.memref_squeeze %dma_wait3A_61 : memref<1x128xi32, #tpu.memory_space<vmem>> -> memref<128xi32, #tpu.memory_space<vmem>>
      %dma_wait3A_63 = arith.constant 0 : i32
      %dma_wait3A_64 = arith.constant 0 : i32
      %dma_wait3A_65 = tpu.memref_slice %arg2[%dma_wait3A_63, %dma_wait3A_64] : memref<10000x128xf32, #tpu.memory_space<hbm>> -> memref<10000x128xf32, #tpu.memory_space<hbm>>
      tpu.wait_indirect_dma semaphore(%arg11 : memref<!tpu.dma_semaphore, #tpu.memory_space<semaphore_mem>>) src(%dma_wait3A_65 : memref<10000x128xf32, #tpu.memory_space<hbm>>) dst(%arg8 : memref<128x128xf32, #tpu.memory_space<vmem>>)
      "tpu.region"() ({
        %run_scoped3A = tpu.sem_alloc : memref<!tpu.dma_semaphore, #tpu.memory_space<semaphore_mem>>
        %dma_start3A_87 = arith.constant 0 : i32
        %dma_start3A_88 = tpu.memref_slice %arg7[%add3A_60, %dma_start3A_87] : memref<40x128xi32, #tpu.memory_space<vmem>> -> memref<1x128xi32, #tpu.memory_space<vmem>>
        %dma_start3A_89 = tpu.memref_squeeze %dma_start3A_88 : memref<1x128xi32, #tpu.memory_space<vmem>> -> memref<128xi32, #tpu.memory_space<vmem>>
        %dma_start3A_90 = arith.constant 0 : i32
        %dma_start3A_91 = arith.constant 0 : i32
        %dma_start3A_92 = tpu.memref_slice %arg10[%dma_start3A_90, %dma_start3A_91] : memref<10112x128xf32, #tpu.memory_space<vmem_shared>> -> memref<10112x128xf32, #tpu.memory_space<vmem_shared>>
        tpu.enqueue_indirect_dma source(%arg8 : memref<128x128xf32, #tpu.memory_space<vmem>>) target(%dma_start3A_92 : memref<10112x128xf32, #tpu.memory_space<vmem_shared>>) offsets(%dma_start3A_89 : memref<128xi32, #tpu.memory_space<vmem>>) semaphore(%run_scoped3A : memref<!tpu.dma_semaphore, #tpu.memory_space<semaphore_mem>>) {add = true}
        %dma_wait3A_93 = arith.constant 0 : i32
        %dma_wait3A_94 = tpu.memref_slice %arg7[%add3A_60, %dma_wait3A_93] : memref<40x128xi32, #tpu.memory_space<vmem>> -> memref<1x128xi32, #tpu.memory_space<vmem>>
        %dma_wait3A_95 = tpu.memref_squeeze %dma_wait3A_94 : memref<1x128xi32, #tpu.memory_space<vmem>> -> memref<128xi32, #tpu.memory_space<vmem>>
        %dma_wait3A_96 = arith.constant 0 : i32
        %dma_wait3A_97 = arith.constant 0 : i32
        %dma_wait3A_98 = tpu.memref_slice %arg10[%dma_wait3A_96, %dma_wait3A_97] : memref<10112x128xf32, #tpu.memory_space<vmem_shared>> -> memref<10112x128xf32, #tpu.memory_space<vmem_shared>>
        tpu.wait_indirect_dma semaphore(%run_scoped3A : memref<!tpu.dma_semaphore, #tpu.memory_space<semaphore_mem>>) src(%arg8 : memref<128x128xf32, #tpu.memory_space<vmem>>) dst(%dma_wait3A_98 : memref<10112x128xf32, #tpu.memory_space<vmem_shared>>)
        tpu.yield
      }) : () -> ()
      %add3A_66 = arith.constant 2 : i32
      %add3A_67 = arith.addi %add3A_60, %add3A_66 : i32
      %lt3A = arith.constant 40 : i32
      %lt3A_68 = arith.cmpi slt, %add3A_67, %lt3A : i32
      %convert_element_type3A = arith.extui %lt3A_68 : i1 to i32
      %cond3A = arith.constant 0 : i32
      %cond3A_69 = arith.cmpi ne, %convert_element_type3A, %cond3A : i32
      scf.if %cond3A_69 {
        %add3A_87 = arith.constant 2 : i32
        %add3A_88 = arith.addi %add3A_60, %add3A_87 : i32
        %dma_start3A_89 = arith.constant 0 : i32
        %dma_start3A_90 = tpu.memref_slice %arg6[%add3A_88, %dma_start3A_89] : memref<40x128xi32, #tpu.memory_space<vmem>> -> memref<1x128xi32, #tpu.memory_space<vmem>>
        %dma_start3A_91 = tpu.memref_squeeze %dma_start3A_90 : memref<1x128xi32, #tpu.memory_space<vmem>> -> memref<128xi32, #tpu.memory_space<vmem>>
        %dma_start3A_92 = arith.constant 0 : i32
        %dma_start3A_93 = arith.constant 0 : i32
        %dma_start3A_94 = tpu.memref_slice %arg2[%dma_start3A_92, %dma_start3A_93] : memref<10000x128xf32, #tpu.memory_space<hbm>> -> memref<10000x128xf32, #tpu.memory_space<hbm>>
        tpu.enqueue_indirect_dma source(%dma_start3A_94 : memref<10000x128xf32, #tpu.memory_space<hbm>>) target(%arg8 : memref<128x128xf32, #tpu.memory_space<vmem>>) offsets(%dma_start3A_91 : memref<128xi32, #tpu.memory_space<vmem>>) semaphore(%arg11 : memref<!tpu.dma_semaphore, #tpu.memory_space<semaphore_mem>>)
      } else {
      }
      %add3A_70 = arith.constant 1 : i32
      %add3A_71 = arith.addi %add3A_60, %add3A_70 : i32
      %dma_wait3A_72 = arith.constant 0 : i32
      %dma_wait3A_73 = tpu.memref_slice %arg6[%add3A_71, %dma_wait3A_72] : memref<40x128xi32, #tpu.memory_space<vmem>> -> memref<1x128xi32, #tpu.memory_space<vmem>>
      %dma_wait3A_74 = tpu.memref_squeeze %dma_wait3A_73 : memref<1x128xi32, #tpu.memory_space<vmem>> -> memref<128xi32, #tpu.memory_space<vmem>>
      %dma_wait3A_75 = arith.constant 0 : i32
      %dma_wait3A_76 = arith.constant 0 : i32
      %dma_wait3A_77 = tpu.memref_slice %arg2[%dma_wait3A_75, %dma_wait3A_76] : memref<10000x128xf32, #tpu.memory_space<hbm>> -> memref<10000x128xf32, #tpu.memory_space<hbm>>
      tpu.wait_indirect_dma semaphore(%arg12 : memref<!tpu.dma_semaphore, #tpu.memory_space<semaphore_mem>>) src(%dma_wait3A_77 : memref<10000x128xf32, #tpu.memory_space<hbm>>) dst(%arg9 : memref<128x128xf32, #tpu.memory_space<vmem>>)
      %add3A_78 = arith.constant 1 : i32
      %add3A_79 = arith.addi %add3A_60, %add3A_78 : i32
      "tpu.region"() ({
        %run_scoped3A = tpu.sem_alloc : memref<!tpu.dma_semaphore, #tpu.memory_space<semaphore_mem>>
        %dma_start3A_87 = arith.constant 0 : i32
        %dma_start3A_88 = tpu.memref_slice %arg7[%add3A_79, %dma_start3A_87] : memref<40x128xi32, #tpu.memory_space<vmem>> -> memref<1x128xi32, #tpu.memory_space<vmem>>
        %dma_start3A_89 = tpu.memref_squeeze %dma_start3A_88 : memref<1x128xi32, #tpu.memory_space<vmem>> -> memref<128xi32, #tpu.memory_space<vmem>>
        %dma_start3A_90 = arith.constant 0 : i32
        %dma_start3A_91 = arith.constant 0 : i32
        %dma_start3A_92 = tpu.memref_slice %arg10[%dma_start3A_90, %dma_start3A_91] : memref<10112x128xf32, #tpu.memory_space<vmem_shared>> -> memref<10112x128xf32, #tpu.memory_space<vmem_shared>>
        tpu.enqueue_indirect_dma source(%arg9 : memref<128x128xf32, #tpu.memory_space<vmem>>) target(%dma_start3A_92 : memref<10112x128xf32, #tpu.memory_space<vmem_shared>>) offsets(%dma_start3A_89 : memref<128xi32, #tpu.memory_space<vmem>>) semaphore(%run_scoped3A : memref<!tpu.dma_semaphore, #tpu.memory_space<semaphore_mem>>) {add = true}
        %dma_wait3A_93 = arith.constant 0 : i32
        %dma_wait3A_94 = tpu.memref_slice %arg7[%add3A_79, %dma_wait3A_93] : memref<40x128xi32, #tpu.memory_space<vmem>> -> memref<1x128xi32, #tpu.memory_space<vmem>>
        %dma_wait3A_95 = tpu.memref_squeeze %dma_wait3A_94 : memref<1x128xi32, #tpu.memory_space<vmem>> -> memref<128xi32, #tpu.memory_space<vmem>>
        %dma_wait3A_96 = arith.constant 0 : i32
        %dma_wait3A_97 = arith.constant 0 : i32
        %dma_wait3A_98 = tpu.memref_slice %arg10[%dma_wait3A_96, %dma_wait3A_97] : memref<10112x128xf32, #tpu.memory_space<vmem_shared>> -> memref<10112x128xf32, #tpu.memory_space<vmem_shared>>
        tpu.wait_indirect_dma semaphore(%run_scoped3A : memref<!tpu.dma_semaphore, #tpu.memory_space<semaphore_mem>>) src(%arg9 : memref<128x128xf32, #tpu.memory_space<vmem>>) dst(%dma_wait3A_98 : memref<10112x128xf32, #tpu.memory_space<vmem_shared>>)
        tpu.yield
      }) : () -> ()
      %add3A_80 = arith.constant 3 : i32
      %add3A_81 = arith.addi %add3A_60, %add3A_80 : i32
      %lt3A_82 = arith.constant 40 : i32
      %lt3A_83 = arith.cmpi slt, %add3A_81, %lt3A_82 : i32
      %convert_element_type3A_84 = arith.extui %lt3A_83 : i1 to i32
      %cond3A_85 = arith.constant 0 : i32
      %cond3A_86 = arith.cmpi ne, %convert_element_type3A_84, %cond3A_85 : i32
      scf.if %cond3A_86 {
        %add3A_87 = arith.constant 3 : i32
        %add3A_88 = arith.addi %add3A_60, %add3A_87 : i32
        %dma_start3A_89 = arith.constant 0 : i32
        %dma_start3A_90 = tpu.memref_slice %arg6[%add3A_88, %dma_start3A_89] : memref<40x128xi32, #tpu.memory_space<vmem>> -> memref<1x128xi32, #tpu.memory_space<vmem>>
        %dma_start3A_91 = tpu.memref_squeeze %dma_start3A_90 : memref<1x128xi32, #tpu.memory_space<vmem>> -> memref<128xi32, #tpu.memory_space<vmem>>
        %dma_start3A_92 = arith.constant 0 : i32
        %dma_start3A_93 = arith.constant 0 : i32
        %dma_start3A_94 = tpu.memref_slice %arg2[%dma_start3A_92, %dma_start3A_93] : memref<10000x128xf32, #tpu.memory_space<hbm>> -> memref<10000x128xf32, #tpu.memory_space<hbm>>
        tpu.enqueue_indirect_dma source(%dma_start3A_94 : memref<10000x128xf32, #tpu.memory_space<hbm>>) target(%arg9 : memref<128x128xf32, #tpu.memory_space<vmem>>) offsets(%dma_start3A_91 : memref<128xi32, #tpu.memory_space<vmem>>) semaphore(%arg12 : memref<!tpu.dma_semaphore, #tpu.memory_space<semaphore_mem>>)
      } else {
      }
    }
    %scan3A_35 = arith.constant 20 : i32
    "tpu.region"() ({
      %run_scoped3A = tpu.sem_alloc : memref<!tpu.dma_semaphore, #tpu.memory_space<semaphore_mem>>
      %dma_start3A_56 = arith.constant 40 : i32
      %dma_start3A_57 = arith.constant 0 : i32
      %dma_start3A_58 = tpu.memref_slice %arg3[%add3A, %dma_start3A_56, %dma_start3A_57] : memref<32x80x128xi32, #tpu.memory_space<hbm>> -> memref<1x40x128xi32, #tpu.memory_space<hbm>>
      %dma_start3A_59 = tpu.memref_squeeze %dma_start3A_58 : memref<1x40x128xi32, #tpu.memory_space<hbm>> -> memref<40x128xi32, #tpu.memory_space<hbm>>
      %dma_start3A_60 = arith.constant 40 : i32
      %dma_start3A_61 = arith.constant 0 : i32
      %dma_start3A_62 = tpu.memref_slice %arg3[%add3A, %dma_start3A_60, %dma_start3A_61] : memref<32x80x128xi32, #tpu.memory_space<hbm>> -> memref<1x40x128xi32, #tpu.memory_space<hbm>>
      %dma_start3A_63 = tpu.memref_squeeze %dma_start3A_62 : memref<1x40x128xi32, #tpu.memory_space<hbm>> -> memref<40x128xi32, #tpu.memory_space<hbm>>
      tpu.enqueue_dma source(%dma_start3A_63 : memref<40x128xi32, #tpu.memory_space<hbm>>) target(%arg6 : memref<40x128xi32, #tpu.memory_space<vmem>>) target_semaphore(%run_scoped3A : memref<!tpu.dma_semaphore, #tpu.memory_space<semaphore_mem>>)
      %dma_wait3A = arith.constant 40 : i32
      %dma_wait3A_64 = arith.constant 0 : i32
      %dma_wait3A_65 = tpu.memref_slice %arg3[%add3A, %dma_wait3A, %dma_wait3A_64] : memref<32x80x128xi32, #tpu.memory_space<hbm>> -> memref<1x40x128xi32, #tpu.memory_space<hbm>>
      %dma_wait3A_66 = tpu.memref_squeeze %dma_wait3A_65 : memref<1x40x128xi32, #tpu.memory_space<hbm>> -> memref<40x128xi32, #tpu.memory_space<hbm>>
      %dma_wait3A_67 = arith.constant 40 : i32
      %dma_wait3A_68 = arith.constant 0 : i32
      %dma_wait3A_69 = tpu.memref_slice %arg3[%add3A, %dma_wait3A_67, %dma_wait3A_68] : memref<32x80x128xi32, #tpu.memory_space<hbm>> -> memref<1x40x128xi32, #tpu.memory_space<hbm>>
      %dma_wait3A_70 = tpu.memref_squeeze %dma_wait3A_69 : memref<1x40x128xi32, #tpu.memory_space<hbm>> -> memref<40x128xi32, #tpu.memory_space<hbm>>
      tpu.wait_dma2 semaphore(%run_scoped3A : memref<!tpu.dma_semaphore, #tpu.memory_space<semaphore_mem>>) src(%dma_wait3A_70 : memref<40x128xi32, #tpu.memory_space<hbm>>) dst(%arg6 : memref<40x128xi32, #tpu.memory_space<vmem>>)
      tpu.yield
    }) : () -> ()
    "tpu.region"() ({
      %run_scoped3A = tpu.sem_alloc : memref<!tpu.dma_semaphore, #tpu.memory_space<semaphore_mem>>
      %dma_start3A_56 = arith.constant 40 : i32
      %dma_start3A_57 = arith.constant 0 : i32
      %dma_start3A_58 = tpu.memref_slice %arg4[%add3A, %dma_start3A_56, %dma_start3A_57] : memref<32x80x128xi32, #tpu.memory_space<hbm>> -> memref<1x40x128xi32, #tpu.memory_space<hbm>>
      %dma_start3A_59 = tpu.memref_squeeze %dma_start3A_58 : memref<1x40x128xi32, #tpu.memory_space<hbm>> -> memref<40x128xi32, #tpu.memory_space<hbm>>
      %dma_start3A_60 = arith.constant 40 : i32
      %dma_start3A_61 = arith.constant 0 : i32
      %dma_start3A_62 = tpu.memref_slice %arg4[%add3A, %dma_start3A_60, %dma_start3A_61] : memref<32x80x128xi32, #tpu.memory_space<hbm>> -> memref<1x40x128xi32, #tpu.memory_space<hbm>>
      %dma_start3A_63 = tpu.memref_squeeze %dma_start3A_62 : memref<1x40x128xi32, #tpu.memory_space<hbm>> -> memref<40x128xi32, #tpu.memory_space<hbm>>
      tpu.enqueue_dma source(%dma_start3A_63 : memref<40x128xi32, #tpu.memory_space<hbm>>) target(%arg7 : memref<40x128xi32, #tpu.memory_space<vmem>>) target_semaphore(%run_scoped3A : memref<!tpu.dma_semaphore, #tpu.memory_space<semaphore_mem>>)
      %dma_wait3A = arith.constant 40 : i32
      %dma_wait3A_64 = arith.constant 0 : i32
      %dma_wait3A_65 = tpu.memref_slice %arg4[%add3A, %dma_wait3A, %dma_wait3A_64] : memref<32x80x128xi32, #tpu.memory_space<hbm>> -> memref<1x40x128xi32, #tpu.memory_space<hbm>>
      %dma_wait3A_66 = tpu.memref_squeeze %dma_wait3A_65 : memref<1x40x128xi32, #tpu.memory_space<hbm>> -> memref<40x128xi32, #tpu.memory_space<hbm>>
      %dma_wait3A_67 = arith.constant 40 : i32
      %dma_wait3A_68 = arith.constant 0 : i32
      %dma_wait3A_69 = tpu.memref_slice %arg4[%add3A, %dma_wait3A_67, %dma_wait3A_68] : memref<32x80x128xi32, #tpu.memory_space<hbm>> -> memref<1x40x128xi32, #tpu.memory_space<hbm>>
      %dma_wait3A_70 = tpu.memref_squeeze %dma_wait3A_69 : memref<1x40x128xi32, #tpu.memory_space<hbm>> -> memref<40x128xi32, #tpu.memory_space<hbm>>
      tpu.wait_dma2 semaphore(%run_scoped3A : memref<!tpu.dma_semaphore, #tpu.memory_space<semaphore_mem>>) src(%dma_wait3A_70 : memref<40x128xi32, #tpu.memory_space<hbm>>) dst(%arg7 : memref<40x128xi32, #tpu.memory_space<vmem>>)
      tpu.yield
    }) : () -> ()
    %dma_start3A_36 = arith.constant 0 : i32
    %dma_start3A_37 = arith.constant 0 : i32
    %dma_start3A_38 = tpu.memref_slice %arg6[%dma_start3A_36, %dma_start3A_37] : memref<40x128xi32, #tpu.memory_space<vmem>> -> memref<1x128xi32, #tpu.memory_space<vmem>>
    %dma_start3A_39 = tpu.memref_squeeze %dma_start3A_38 : memref<1x128xi32, #tpu.memory_space<vmem>> -> memref<128xi32, #tpu.memory_space<vmem>>
    %dma_start3A_40 = arith.constant 0 : i32
    %dma_start3A_41 = arith.constant 0 : i32
    %dma_start3A_42 = tpu.memref_slice %arg2[%dma_start3A_40, %dma_start3A_41] : memref<10000x128xf32, #tpu.memory_space<hbm>> -> memref<10000x128xf32, #tpu.memory_space<hbm>>
    tpu.enqueue_indirect_dma source(%dma_start3A_42 : memref<10000x128xf32, #tpu.memory_space<hbm>>) target(%arg8 : memref<128x128xf32, #tpu.memory_space<vmem>>) offsets(%dma_start3A_39 : memref<128xi32, #tpu.memory_space<vmem>>) semaphore(%arg11 : memref<!tpu.dma_semaphore, #tpu.memory_space<semaphore_mem>>)
    %dma_start3A_43 = arith.constant 1 : i32
    %dma_start3A_44 = arith.constant 0 : i32
    %dma_start3A_45 = tpu.memref_slice %arg6[%dma_start3A_43, %dma_start3A_44] : memref<40x128xi32, #tpu.memory_space<vmem>> -> memref<1x128xi32, #tpu.memory_space<vmem>>
    %dma_start3A_46 = tpu.memref_squeeze %dma_start3A_45 : memref<1x128xi32, #tpu.memory_space<vmem>> -> memref<128xi32, #tpu.memory_space<vmem>>
    %dma_start3A_47 = arith.constant 0 : i32
    %dma_start3A_48 = arith.constant 0 : i32
    %dma_start3A_49 = tpu.memref_slice %arg2[%dma_start3A_47, %dma_start3A_48] : memref<10000x128xf32, #tpu.memory_space<hbm>> -> memref<10000x128xf32, #tpu.memory_space<hbm>>
    tpu.enqueue_indirect_dma source(%dma_start3A_49 : memref<10000x128xf32, #tpu.memory_space<hbm>>) target(%arg9 : memref<128x128xf32, #tpu.memory_space<vmem>>) offsets(%dma_start3A_46 : memref<128xi32, #tpu.memory_space<vmem>>) semaphore(%arg12 : memref<!tpu.dma_semaphore, #tpu.memory_space<semaphore_mem>>)
    %scan3A_50 = arith.constant 0 : i32
    %scan3A_51 = arith.constant 20 : i32
    %scan3A_52 = arith.addi %scan3A_50, %scan3A_51 : i32
    %scan3A_53 = arith.constant 1 : i32
    scf.for %scan3A_56 = %scan3A_50 to %scan3A_52 step %scan3A_53  : i32 {
      %mul3A_57 = arith.constant 2 : i32
      %mul3A_58 = arith.muli %scan3A_56, %mul3A_57 : i32
      %add3A_59 = arith.constant 0 : i32
      %add3A_60 = arith.addi %add3A_59, %mul3A_58 : i32
      %dma_wait3A = arith.constant 0 : i32
      %dma_wait3A_61 = tpu.memref_slice %arg6[%add3A_60, %dma_wait3A] : memref<40x128xi32, #tpu.memory_space<vmem>> -> memref<1x128xi32, #tpu.memory_space<vmem>>
      %dma_wait3A_62 = tpu.memref_squeeze %dma_wait3A_61 : memref<1x128xi32, #tpu.memory_space<vmem>> -> memref<128xi32, #tpu.memory_space<vmem>>
      %dma_wait3A_63 = arith.constant 0 : i32
      %dma_wait3A_64 = arith.constant 0 : i32
      %dma_wait3A_65 = tpu.memref_slice %arg2[%dma_wait3A_63, %dma_wait3A_64] : memref<10000x128xf32, #tpu.memory_space<hbm>> -> memref<10000x128xf32, #tpu.memory_space<hbm>>
      tpu.wait_indirect_dma semaphore(%arg11 : memref<!tpu.dma_semaphore, #tpu.memory_space<semaphore_mem>>) src(%dma_wait3A_65 : memref<10000x128xf32, #tpu.memory_space<hbm>>) dst(%arg8 : memref<128x128xf32, #tpu.memory_space<vmem>>)
      "tpu.region"() ({
        %run_scoped3A = tpu.sem_alloc : memref<!tpu.dma_semaphore, #tpu.memory_space<semaphore_mem>>
        %dma_start3A_87 = arith.constant 0 : i32
        %dma_start3A_88 = tpu.memref_slice %arg7[%add3A_60, %dma_start3A_87] : memref<40x128xi32, #tpu.memory_space<vmem>> -> memref<1x128xi32, #tpu.memory_space<vmem>>
        %dma_start3A_89 = tpu.memref_squeeze %dma_start3A_88 : memref<1x128xi32, #tpu.memory_space<vmem>> -> memref<128xi32, #tpu.memory_space<vmem>>
        %dma_start3A_90 = arith.constant 0 : i32
        %dma_start3A_91 = arith.constant 0 : i32
        %dma_start3A_92 = tpu.memref_slice %arg10[%dma_start3A_90, %dma_start3A_91] : memref<10112x128xf32, #tpu.memory_space<vmem_shared>> -> memref<10112x128xf32, #tpu.memory_space<vmem_shared>>
        tpu.enqueue_indirect_dma source(%arg8 : memref<128x128xf32, #tpu.memory_space<vmem>>) target(%dma_start3A_92 : memref<10112x128xf32, #tpu.memory_space<vmem_shared>>) offsets(%dma_start3A_89 : memref<128xi32, #tpu.memory_space<vmem>>) semaphore(%run_scoped3A : memref<!tpu.dma_semaphore, #tpu.memory_space<semaphore_mem>>) {add = true}
        %dma_wait3A_93 = arith.constant 0 : i32
        %dma_wait3A_94 = tpu.memref_slice %arg7[%add3A_60, %dma_wait3A_93] : memref<40x128xi32, #tpu.memory_space<vmem>> -> memref<1x128xi32, #tpu.memory_space<vmem>>
        %dma_wait3A_95 = tpu.memref_squeeze %dma_wait3A_94 : memref<1x128xi32, #tpu.memory_space<vmem>> -> memref<128xi32, #tpu.memory_space<vmem>>
        %dma_wait3A_96 = arith.constant 0 : i32
        %dma_wait3A_97 = arith.constant 0 : i32
        %dma_wait3A_98 = tpu.memref_slice %arg10[%dma_wait3A_96, %dma_wait3A_97] : memref<10112x128xf32, #tpu.memory_space<vmem_shared>> -> memref<10112x128xf32, #tpu.memory_space<vmem_shared>>
        tpu.wait_indirect_dma semaphore(%run_scoped3A : memref<!tpu.dma_semaphore, #tpu.memory_space<semaphore_mem>>) src(%arg8 : memref<128x128xf32, #tpu.memory_space<vmem>>) dst(%dma_wait3A_98 : memref<10112x128xf32, #tpu.memory_space<vmem_shared>>)
        tpu.yield
      }) : () -> ()
      %add3A_66 = arith.constant 2 : i32
      %add3A_67 = arith.addi %add3A_60, %add3A_66 : i32
      %lt3A = arith.constant 40 : i32
      %lt3A_68 = arith.cmpi slt, %add3A_67, %lt3A : i32
      %convert_element_type3A = arith.extui %lt3A_68 : i1 to i32
      %cond3A = arith.constant 0 : i32
      %cond3A_69 = arith.cmpi ne, %convert_element_type3A, %cond3A : i32
      scf.if %cond3A_69 {
        %add3A_87 = arith.constant 2 : i32
        %add3A_88 = arith.addi %add3A_60, %add3A_87 : i32
        %dma_start3A_89 = arith.constant 0 : i32
        %dma_start3A_90 = tpu.memref_slice %arg6[%add3A_88, %dma_start3A_89] : memref<40x128xi32, #tpu.memory_space<vmem>> -> memref<1x128xi32, #tpu.memory_space<vmem>>
        %dma_start3A_91 = tpu.memref_squeeze %dma_start3A_90 : memref<1x128xi32, #tpu.memory_space<vmem>> -> memref<128xi32, #tpu.memory_space<vmem>>
        %dma_start3A_92 = arith.constant 0 : i32
        %dma_start3A_93 = arith.constant 0 : i32
        %dma_start3A_94 = tpu.memref_slice %arg2[%dma_start3A_92, %dma_start3A_93] : memref<10000x128xf32, #tpu.memory_space<hbm>> -> memref<10000x128xf32, #tpu.memory_space<hbm>>
        tpu.enqueue_indirect_dma source(%dma_start3A_94 : memref<10000x128xf32, #tpu.memory_space<hbm>>) target(%arg8 : memref<128x128xf32, #tpu.memory_space<vmem>>) offsets(%dma_start3A_91 : memref<128xi32, #tpu.memory_space<vmem>>) semaphore(%arg11 : memref<!tpu.dma_semaphore, #tpu.memory_space<semaphore_mem>>)
      } else {
      }
      %add3A_70 = arith.constant 1 : i32
      %add3A_71 = arith.addi %add3A_60, %add3A_70 : i32
      %dma_wait3A_72 = arith.constant 0 : i32
      %dma_wait3A_73 = tpu.memref_slice %arg6[%add3A_71, %dma_wait3A_72] : memref<40x128xi32, #tpu.memory_space<vmem>> -> memref<1x128xi32, #tpu.memory_space<vmem>>
      %dma_wait3A_74 = tpu.memref_squeeze %dma_wait3A_73 : memref<1x128xi32, #tpu.memory_space<vmem>> -> memref<128xi32, #tpu.memory_space<vmem>>
      %dma_wait3A_75 = arith.constant 0 : i32
      %dma_wait3A_76 = arith.constant 0 : i32
      %dma_wait3A_77 = tpu.memref_slice %arg2[%dma_wait3A_75, %dma_wait3A_76] : memref<10000x128xf32, #tpu.memory_space<hbm>> -> memref<10000x128xf32, #tpu.memory_space<hbm>>
      tpu.wait_indirect_dma semaphore(%arg12 : memref<!tpu.dma_semaphore, #tpu.memory_space<semaphore_mem>>) src(%dma_wait3A_77 : memref<10000x128xf32, #tpu.memory_space<hbm>>) dst(%arg9 : memref<128x128xf32, #tpu.memory_space<vmem>>)
      %add3A_78 = arith.constant 1 : i32
      %add3A_79 = arith.addi %add3A_60, %add3A_78 : i32
      "tpu.region"() ({
        %run_scoped3A = tpu.sem_alloc : memref<!tpu.dma_semaphore, #tpu.memory_space<semaphore_mem>>
        %dma_start3A_87 = arith.constant 0 : i32
        %dma_start3A_88 = tpu.memref_slice %arg7[%add3A_79, %dma_start3A_87] : memref<40x128xi32, #tpu.memory_space<vmem>> -> memref<1x128xi32, #tpu.memory_space<vmem>>
        %dma_start3A_89 = tpu.memref_squeeze %dma_start3A_88 : memref<1x128xi32, #tpu.memory_space<vmem>> -> memref<128xi32, #tpu.memory_space<vmem>>
        %dma_start3A_90 = arith.constant 0 : i32
        %dma_start3A_91 = arith.constant 0 : i32
        %dma_start3A_92 = tpu.memref_slice %arg10[%dma_start3A_90, %dma_start3A_91] : memref<10112x128xf32, #tpu.memory_space<vmem_shared>> -> memref<10112x128xf32, #tpu.memory_space<vmem_shared>>
        tpu.enqueue_indirect_dma source(%arg9 : memref<128x128xf32, #tpu.memory_space<vmem>>) target(%dma_start3A_92 : memref<10112x128xf32, #tpu.memory_space<vmem_shared>>) offsets(%dma_start3A_89 : memref<128xi32, #tpu.memory_space<vmem>>) semaphore(%run_scoped3A : memref<!tpu.dma_semaphore, #tpu.memory_space<semaphore_mem>>) {add = true}
        %dma_wait3A_93 = arith.constant 0 : i32
        %dma_wait3A_94 = tpu.memref_slice %arg7[%add3A_79, %dma_wait3A_93] : memref<40x128xi32, #tpu.memory_space<vmem>> -> memref<1x128xi32, #tpu.memory_space<vmem>>
        %dma_wait3A_95 = tpu.memref_squeeze %dma_wait3A_94 : memref<1x128xi32, #tpu.memory_space<vmem>> -> memref<128xi32, #tpu.memory_space<vmem>>
        %dma_wait3A_96 = arith.constant 0 : i32
        %dma_wait3A_97 = arith.constant 0 : i32
        %dma_wait3A_98 = tpu.memref_slice %arg10[%dma_wait3A_96, %dma_wait3A_97] : memref<10112x128xf32, #tpu.memory_space<vmem_shared>> -> memref<10112x128xf32, #tpu.memory_space<vmem_shared>>
        tpu.wait_indirect_dma semaphore(%run_scoped3A : memref<!tpu.dma_semaphore, #tpu.memory_space<semaphore_mem>>) src(%arg9 : memref<128x128xf32, #tpu.memory_space<vmem>>) dst(%dma_wait3A_98 : memref<10112x128xf32, #tpu.memory_space<vmem_shared>>)
        tpu.yield
      }) : () -> ()
      %add3A_80 = arith.constant 3 : i32
      %add3A_81 = arith.addi %add3A_60, %add3A_80 : i32
      %lt3A_82 = arith.constant 40 : i32
      %lt3A_83 = arith.cmpi slt, %add3A_81, %lt3A_82 : i32
      %convert_element_type3A_84 = arith.extui %lt3A_83 : i1 to i32
      %cond3A_85 = arith.constant 0 : i32
      %cond3A_86 = arith.cmpi ne, %convert_element_type3A_84, %cond3A_85 : i32
      scf.if %cond3A_86 {
        %add3A_87 = arith.constant 3 : i32
        %add3A_88 = arith.addi %add3A_60, %add3A_87 : i32
        %dma_start3A_89 = arith.constant 0 : i32
        %dma_start3A_90 = tpu.memref_slice %arg6[%add3A_88, %dma_start3A_89] : memref<40x128xi32, #tpu.memory_space<vmem>> -> memref<1x128xi32, #tpu.memory_space<vmem>>
        %dma_start3A_91 = tpu.memref_squeeze %dma_start3A_90 : memref<1x128xi32, #tpu.memory_space<vmem>> -> memref<128xi32, #tpu.memory_space<vmem>>
        %dma_start3A_92 = arith.constant 0 : i32
        %dma_start3A_93 = arith.constant 0 : i32
        %dma_start3A_94 = tpu.memref_slice %arg2[%dma_start3A_92, %dma_start3A_93] : memref<10000x128xf32, #tpu.memory_space<hbm>> -> memref<10000x128xf32, #tpu.memory_space<hbm>>
        tpu.enqueue_indirect_dma source(%dma_start3A_94 : memref<10000x128xf32, #tpu.memory_space<hbm>>) target(%arg9 : memref<128x128xf32, #tpu.memory_space<vmem>>) offsets(%dma_start3A_91 : memref<128xi32, #tpu.memory_space<vmem>>) semaphore(%arg12 : memref<!tpu.dma_semaphore, #tpu.memory_space<semaphore_mem>>)
      } else {
      }
    }
    %scan3A_54 = arith.constant 20 : i32
    %barrier3A_55 = arith.constant 0 : index
    tpu.barrier barrier_id(%barrier3A_55)
    "tpu.region"() ({
      %run_scoped3A = tpu.sem_alloc : memref<!tpu.dma_semaphore, #tpu.memory_space<semaphore_mem>>
      %dma_start3A_56 = arith.constant 0 : i32
      %dma_start3A_57 = tpu.memref_slice %arg5[%arg0, %mul3A_7, %dma_start3A_56] : memref<2x10112x128xf32, #tpu.memory_space<hbm>> -> memref<1x632x128xf32, #tpu.memory_space<hbm>>
      %dma_start3A_58 = tpu.memref_squeeze %dma_start3A_57 : memref<1x632x128xf32, #tpu.memory_space<hbm>> -> memref<632x128xf32, #tpu.memory_space<hbm>>
      %dma_start3A_59 = arith.constant 0 : i32
      %dma_start3A_60 = tpu.memref_slice %arg10[%mul3A_7, %dma_start3A_59] : memref<10112x128xf32, #tpu.memory_space<vmem_shared>> -> memref<632x128xf32, #tpu.memory_space<vmem_shared>>
      tpu.enqueue_dma source(%dma_start3A_60 : memref<632x128xf32, #tpu.memory_space<vmem_shared>>) target(%dma_start3A_58 : memref<632x128xf32, #tpu.memory_space<hbm>>) target_semaphore(%run_scoped3A : memref<!tpu.dma_semaphore, #tpu.memory_space<semaphore_mem>>)
      %dma_wait3A = arith.constant 0 : i32
      %dma_wait3A_61 = tpu.memref_slice %arg5[%arg0, %mul3A_7, %dma_wait3A] : memref<2x10112x128xf32, #tpu.memory_space<hbm>> -> memref<1x632x128xf32, #tpu.memory_space<hbm>>
      %dma_wait3A_62 = tpu.memref_squeeze %dma_wait3A_61 : memref<1x632x128xf32, #tpu.memory_space<hbm>> -> memref<632x128xf32, #tpu.memory_space<hbm>>
      %dma_wait3A_63 = arith.constant 0 : i32
      %dma_wait3A_64 = tpu.memref_slice %arg10[%mul3A_7, %dma_wait3A_63] : memref<10112x128xf32, #tpu.memory_space<vmem_shared>> -> memref<632x128xf32, #tpu.memory_space<vmem_shared>>
      tpu.wait_dma2 semaphore(%run_scoped3A : memref<!tpu.dma_semaphore, #tpu.memory_space<semaphore_mem>>) src(%dma_wait3A_64 : memref<632x128xf32, #tpu.memory_space<vmem_shared>>) dst(%dma_wait3A_62 : memref<632x128xf32, #tpu.memory_space<hbm>>)
      tpu.yield
    }) : () -> ()
    return
  }
}

#map = affine_map<(d0, d1) -> (0, 0)>
#map1 = affine_map<(d0, d1) -> (0, 0, 0)>
module attributes {stable_mosaic.version = 14 : i64} {
  func.func @agg(%arg0: i32, %arg1: i32, %arg2: memref<10000x128xf32, #tpu.memory_space<hbm>>, %arg3: memref<32x80x128xi32, #tpu.memory_space<hbm>>, %arg4: memref<32x80x128xi32, #tpu.memory_space<hbm>>, %arg5: memref<2x10112x128xf32, #tpu.memory_space<hbm>>, %arg6: memref<40x128xi32, #tpu.memory_space<vmem>>, %arg7: memref<40x128xi32, #tpu.memory_space<vmem>>, %arg8: memref<128x128xf32, #tpu.memory_space<vmem>>, %arg9: memref<128x128xf32, #tpu.memory_space<vmem>>, %arg10: memref<10112x128xf32, #tpu.memory_space<vmem_shared>>, %arg11: memref<!tpu.dma_semaphore, #tpu.memory_space<semaphore_mem>>, %arg12: memref<!tpu.dma_semaphore, #tpu.memory_space<semaphore_mem>>) attributes {dimension_semantics = [#tpu.dimension_semantics<core_parallel>, #tpu.dimension_semantics<subcore_parallel>], iteration_bounds = array<i64: 2, 16>, scalar_prefetch = 0 : i64, scratch_operands = 7 : i64, tpu.core_type = #tpu.core_type<sc_vector_subcore>, window_params = [{transform_indices = #map}, {transform_indices = #map1}, {transform_indices = #map1}, {transform_indices = #map1}]} {
    %mul3A = arith.constant 16 : i32
    %mul3A_0 = arith.muli %arg0, %mul3A : i32
    %add3A = arith.addi %mul3A_0, %arg1 : i32
    %broadcast_in_dim3A = arith.constant 0.000000e+00 : f32
    %broadcast_in_dim3A_1 = vector.broadcast %broadcast_in_dim3A : f32 to vector<16xf32>
    %scan3A = arith.constant 0 : i32
    %scan3A_2 = arith.constant 128 : i32
    %scan3A_3 = arith.addi %scan3A, %scan3A_2 : i32
    %scan3A_4 = arith.constant 1 : i32
    scf.for %scan3A_56 = %scan3A to %scan3A_3 step %scan3A_4  : i32 {
      %mul3A_57 = arith.constant 1 : i32
      %mul3A_58 = arith.muli %scan3A_56, %mul3A_57 : i32
      %add3A_59 = arith.constant 0 : i32
      %add3A_60 = arith.addi %add3A_59, %mul3A_58 : i32
      %swap3A = arith.index_cast %add3A_60 : i32 to index
      %swap3A_61 = arith.constant 0 : index
      %swap3A_62 = tpu.vector_load %arg8[%swap3A, %swap3A_61] {strides = array<i32>} : memref<128x128xf32, #tpu.memory_space<vmem>>, vector<1x16xf32>,
      %swap3A_63 = vector.shape_cast %swap3A_62 : vector<1x16xf32> to vector<16xf32>
      %swap3A_64 = vector.shape_cast %broadcast_in_dim3A_1 : vector<16xf32> to vector<1x16xf32>
      tpu.vector_store %arg8[%swap3A, %swap3A_61], %swap3A_64 {strides = array<i32>} : memref<128x128xf32, #tpu.memory_space<vmem>>, vector<1x16xf32>,
      %swap3A_65 = arith.index_cast %add3A_60 : i32 to index
      %swap3A_66 = arith.constant 16 : index
      %swap3A_67 = tpu.vector_load %arg8[%swap3A_65, %swap3A_66] {strides = array<i32>} : memref<128x128xf32, #tpu.memory_space<vmem>>, vector<1x16xf32>,
      %swap3A_68 = vector.shape_cast %swap3A_67 : vector<1x16xf32> to vector<16xf32>
      %swap3A_69 = vector.shape_cast %broadcast_in_dim3A_1 : vector<16xf32> to vector<1x16xf32>
      tpu.vector_store %arg8[%swap3A_65, %swap3A_66], %swap3A_69 {strides = array<i32>} : memref<128x128xf32, #tpu.memory_space<vmem>>, vector<1x16xf32>,
      %swap3A_70 = arith.index_cast %add3A_60 : i32 to index
      %swap3A_71 = arith.constant 32 : index
      %swap3A_72 = tpu.vector_load %arg8[%swap3A_70, %swap3A_71] {strides = array<i32>} : memref<128x128xf32, #tpu.memory_space<vmem>>, vector<1x16xf32>,
      %swap3A_73 = vector.shape_cast %swap3A_72 : vector<1x16xf32> to vector<16xf32>
      %swap3A_74 = vector.shape_cast %broadcast_in_dim3A_1 : vector<16xf32> to vector<1x16xf32>
      tpu.vector_store %arg8[%swap3A_70, %swap3A_71], %swap3A_74 {strides = array<i32>} : memref<128x128xf32, #tpu.memory_space<vmem>>, vector<1x16xf32>,
      %swap3A_75 = arith.index_cast %add3A_60 : i32 to index
      %swap3A_76 = arith.constant 48 : index
      %swap3A_77 = tpu.vector_load %arg8[%swap3A_75, %swap3A_76] {strides = array<i32>} : memref<128x128xf32, #tpu.memory_space<vmem>>, vector<1x16xf32>,
      %swap3A_78 = vector.shape_cast %swap3A_77 : vector<1x16xf32> to vector<16xf32>
      %swap3A_79 = vector.shape_cast %broadcast_in_dim3A_1 : vector<16xf32> to vector<1x16xf32>
      tpu.vector_store %arg8[%swap3A_75, %swap3A_76], %swap3A_79 {strides = array<i32>} : memref<128x128xf32, #tpu.memory_space<vmem>>, vector<1x16xf32>,
      %swap3A_80 = arith.index_cast %add3A_60 : i32 to index
      %swap3A_81 = arith.constant 64 : index
      %swap3A_82 = tpu.vector_load %arg8[%swap3A_80, %swap3A_81] {strides = array<i32>} : memref<128x128xf32, #tpu.memory_space<vmem>>, vector<1x16xf32>,
      %swap3A_83 = vector.shape_cast %swap3A_82 : vector<1x16xf32> to vector<16xf32>
      %swap3A_84 = vector.shape_cast %broadcast_in_dim3A_1 : vector<16xf32> to vector<1x16xf32>
      tpu.vector_store %arg8[%swap3A_80, %swap3A_81], %swap3A_84 {strides = array<i32>} : memref<128x128xf32, #tpu.memory_space<vmem>>, vector<1x16xf32>,
      %swap3A_85 = arith.index_cast %add3A_60 : i32 to index
      %swap3A_86 = arith.constant 80 : index
      %swap3A_87 = tpu.vector_load %arg8[%swap3A_85, %swap3A_86] {strides = array<i32>} : memref<128x128xf32, #tpu.memory_space<vmem>>, vector<1x16xf32>,
      %swap3A_88 = vector.shape_cast %swap3A_87 : vector<1x16xf32> to vector<16xf32>
      %swap3A_89 = vector.shape_cast %broadcast_in_dim3A_1 : vector<16xf32> to vector<1x16xf32>
      tpu.vector_store %arg8[%swap3A_85, %swap3A_86], %swap3A_89 {strides = array<i32>} : memref<128x128xf32, #tpu.memory_space<vmem>>, vector<1x16xf32>,
      %swap3A_90 = arith.index_cast %add3A_60 : i32 to index
      %swap3A_91 = arith.constant 96 : index
      %swap3A_92 = tpu.vector_load %arg8[%swap3A_90, %swap3A_91] {strides = array<i32>} : memref<128x128xf32, #tpu.memory_space<vmem>>, vector<1x16xf32>,
      %swap3A_93 = vector.shape_cast %swap3A_92 : vector<1x16xf32> to vector<16xf32>
      %swap3A_94 = vector.shape_cast %broadcast_in_dim3A_1 : vector<16xf32> to vector<1x16xf32>
      tpu.vector_store %arg8[%swap3A_90, %swap3A_91], %swap3A_94 {strides = array<i32>} : memref<128x128xf32, #tpu.memory_space<vmem>>, vector<1x16xf32>,
      %swap3A_95 = arith.index_cast %add3A_60 : i32 to index
      %swap3A_96 = arith.constant 112 : index
      %swap3A_97 = tpu.vector_load %arg8[%swap3A_95, %swap3A_96] {strides = array<i32>} : memref<128x128xf32, #tpu.memory_space<vmem>>, vector<1x16xf32>,
      %swap3A_98 = vector.shape_cast %swap3A_97 : vector<1x16xf32> to vector<16xf32>
      %swap3A_99 = vector.shape_cast %broadcast_in_dim3A_1 : vector<16xf32> to vector<1x16xf32>
      tpu.vector_store %arg8[%swap3A_95, %swap3A_96], %swap3A_99 {strides = array<i32>} : memref<128x128xf32, #tpu.memory_space<vmem>>, vector<1x16xf32>,
    }
    %scan3A_5 = arith.constant 128 : i32
    %mul3A_6 = arith.constant 632 : i32
    %mul3A_7 = arith.muli %arg1, %mul3A_6 : i32
    %add3A_8 = arith.constant 0 : i32
    %add3A_9 = arith.addi %mul3A_7, %add3A_8 : i32
    "tpu.region"() ({
      %run_scoped3A = tpu.sem_alloc : memref<!tpu.dma_semaphore, #tpu.memory_space<semaphore_mem>>
      %dma_start3A_56 = arith.constant 0 : i32
      %dma_start3A_57 = arith.constant 0 : i32
      %dma_start3A_58 = tpu.memref_slice %arg8[%dma_start3A_56, %dma_start3A_57] : memref<128x128xf32, #tpu.memory_space<vmem>> -> memref<128x128xf32, #tpu.memory_space<vmem>>
      %dma_start3A_59 = arith.constant 0 : i32
      %dma_start3A_60 = tpu.memref_slice %arg10[%add3A_9, %dma_start3A_59] : memref<10112x128xf32, #tpu.memory_space<vmem_shared>> -> memref<128x128xf32, #tpu.memory_space<vmem_shared>>
      %dma_start3A_61 = arith.constant 0 : i32
      %dma_start3A_62 = tpu.memref_slice %arg10[%add3A_9, %dma_start3A_61] : memref<10112x128xf32, #tpu.memory_space<vmem_shared>> -> memref<128x128xf32, #tpu.memory_space<vmem_shared>>
      %dma_start3A_63 = arith.constant 0 : i32
      %dma_start3A_64 = arith.constant 0 : i32
      %dma_start3A_65 = tpu.memref_slice %arg8[%dma_start3A_63, %dma_start3A_64] : memref<128x128xf32, #tpu.memory_space<vmem>> -> memref<128x128xf32, #tpu.memory_space<vmem>>
      tpu.enqueue_dma source(%dma_start3A_65 : memref<128x128xf32, #tpu.memory_space<vmem>>) target(%dma_start3A_62 : memref<128x128xf32, #tpu.memory_space<vmem_shared>>) target_semaphore(%run_scoped3A : memref<!tpu.dma_semaphore, #tpu.memory_space<semaphore_mem>>)
      %dma_wait3A = arith.constant 0 : i32
      %dma_wait3A_66 = arith.constant 0 : i32
      %dma_wait3A_67 = tpu.memref_slice %arg8[%dma_wait3A, %dma_wait3A_66] : memref<128x128xf32, #tpu.memory_space<vmem>> -> memref<128x128xf32, #tpu.memory_space<vmem>>
      %dma_wait3A_68 = arith.constant 0 : i32
      %dma_wait3A_69 = tpu.memref_slice %arg10[%add3A_9, %dma_wait3A_68] : memref<10112x128xf32, #tpu.memory_space<vmem_shared>> -> memref<128x128xf32, #tpu.memory_space<vmem_shared>>
      %dma_wait3A_70 = arith.constant 0 : i32
      %dma_wait3A_71 = tpu.memref_slice %arg10[%add3A_9, %dma_wait3A_70] : memref<10112x128xf32, #tpu.memory_space<vmem_shared>> -> memref<128x128xf32, #tpu.memory_space<vmem_shared>>
      %dma_wait3A_72 = arith.constant 0 : i32
      %dma_wait3A_73 = arith.constant 0 : i32
      %dma_wait3A_74 = tpu.memref_slice %arg8[%dma_wait3A_72, %dma_wait3A_73] : memref<128x128xf32, #tpu.memory_space<vmem>> -> memref<128x128xf32, #tpu.memory_space<vmem>>
      tpu.wait_dma2 semaphore(%run_scoped3A : memref<!tpu.dma_semaphore, #tpu.memory_space<semaphore_mem>>) src(%dma_wait3A_74 : memref<128x128xf32, #tpu.memory_space<vmem>>) dst(%dma_wait3A_71 : memref<128x128xf32, #tpu.memory_space<vmem_shared>>)
      tpu.yield
    }) : () -> ()
    %add3A_10 = arith.constant 128 : i32
    %add3A_11 = arith.addi %mul3A_7, %add3A_10 : i32
    "tpu.region"() ({
      %run_scoped3A = tpu.sem_alloc : memref<!tpu.dma_semaphore, #tpu.memory_space<semaphore_mem>>
      %dma_start3A_56 = arith.constant 0 : i32
      %dma_start3A_57 = arith.constant 0 : i32
      %dma_start3A_58 = tpu.memref_slice %arg8[%dma_start3A_56, %dma_start3A_57] : memref<128x128xf32, #tpu.memory_space<vmem>> -> memref<128x128xf32, #tpu.memory_space<vmem>>
      %dma_start3A_59 = arith.constant 0 : i32
      %dma_start3A_60 = tpu.memref_slice %arg10[%add3A_11, %dma_start3A_59] : memref<10112x128xf32, #tpu.memory_space<vmem_shared>> -> memref<128x128xf32, #tpu.memory_space<vmem_shared>>
      %dma_start3A_61 = arith.constant 0 : i32
      %dma_start3A_62 = tpu.memref_slice %arg10[%add3A_11, %dma_start3A_61] : memref<10112x128xf32, #tpu.memory_space<vmem_shared>> -> memref<128x128xf32, #tpu.memory_space<vmem_shared>>
      %dma_start3A_63 = arith.constant 0 : i32
      %dma_start3A_64 = arith.constant 0 : i32
      %dma_start3A_65 = tpu.memref_slice %arg8[%dma_start3A_63, %dma_start3A_64] : memref<128x128xf32, #tpu.memory_space<vmem>> -> memref<128x128xf32, #tpu.memory_space<vmem>>
      tpu.enqueue_dma source(%dma_start3A_65 : memref<128x128xf32, #tpu.memory_space<vmem>>) target(%dma_start3A_62 : memref<128x128xf32, #tpu.memory_space<vmem_shared>>) target_semaphore(%run_scoped3A : memref<!tpu.dma_semaphore, #tpu.memory_space<semaphore_mem>>)
      %dma_wait3A = arith.constant 0 : i32
      %dma_wait3A_66 = arith.constant 0 : i32
      %dma_wait3A_67 = tpu.memref_slice %arg8[%dma_wait3A, %dma_wait3A_66] : memref<128x128xf32, #tpu.memory_space<vmem>> -> memref<128x128xf32, #tpu.memory_space<vmem>>
      %dma_wait3A_68 = arith.constant 0 : i32
      %dma_wait3A_69 = tpu.memref_slice %arg10[%add3A_11, %dma_wait3A_68] : memref<10112x128xf32, #tpu.memory_space<vmem_shared>> -> memref<128x128xf32, #tpu.memory_space<vmem_shared>>
      %dma_wait3A_70 = arith.constant 0 : i32
      %dma_wait3A_71 = tpu.memref_slice %arg10[%add3A_11, %dma_wait3A_70] : memref<10112x128xf32, #tpu.memory_space<vmem_shared>> -> memref<128x128xf32, #tpu.memory_space<vmem_shared>>
      %dma_wait3A_72 = arith.constant 0 : i32
      %dma_wait3A_73 = arith.constant 0 : i32
      %dma_wait3A_74 = tpu.memref_slice %arg8[%dma_wait3A_72, %dma_wait3A_73] : memref<128x128xf32, #tpu.memory_space<vmem>> -> memref<128x128xf32, #tpu.memory_space<vmem>>
      tpu.wait_dma2 semaphore(%run_scoped3A : memref<!tpu.dma_semaphore, #tpu.memory_space<semaphore_mem>>) src(%dma_wait3A_74 : memref<128x128xf32, #tpu.memory_space<vmem>>) dst(%dma_wait3A_71 : memref<128x128xf32, #tpu.memory_space<vmem_shared>>)
      tpu.yield
    }) : () -> ()
    %add3A_12 = arith.constant 256 : i32
    %add3A_13 = arith.addi %mul3A_7, %add3A_12 : i32
    "tpu.region"() ({
      %run_scoped3A = tpu.sem_alloc : memref<!tpu.dma_semaphore, #tpu.memory_space<semaphore_mem>>
      %dma_start3A_56 = arith.constant 0 : i32
      %dma_start3A_57 = arith.constant 0 : i32
      %dma_start3A_58 = tpu.memref_slice %arg8[%dma_start3A_56, %dma_start3A_57] : memref<128x128xf32, #tpu.memory_space<vmem>> -> memref<128x128xf32, #tpu.memory_space<vmem>>
      %dma_start3A_59 = arith.constant 0 : i32
      %dma_start3A_60 = tpu.memref_slice %arg10[%add3A_13, %dma_start3A_59] : memref<10112x128xf32, #tpu.memory_space<vmem_shared>> -> memref<128x128xf32, #tpu.memory_space<vmem_shared>>
      %dma_start3A_61 = arith.constant 0 : i32
      %dma_start3A_62 = tpu.memref_slice %arg10[%add3A_13, %dma_start3A_61] : memref<10112x128xf32, #tpu.memory_space<vmem_shared>> -> memref<128x128xf32, #tpu.memory_space<vmem_shared>>
      %dma_start3A_63 = arith.constant 0 : i32
      %dma_start3A_64 = arith.constant 0 : i32
      %dma_start3A_65 = tpu.memref_slice %arg8[%dma_start3A_63, %dma_start3A_64] : memref<128x128xf32, #tpu.memory_space<vmem>> -> memref<128x128xf32, #tpu.memory_space<vmem>>
      tpu.enqueue_dma source(%dma_start3A_65 : memref<128x128xf32, #tpu.memory_space<vmem>>) target(%dma_start3A_62 : memref<128x128xf32, #tpu.memory_space<vmem_shared>>) target_semaphore(%run_scoped3A : memref<!tpu.dma_semaphore, #tpu.memory_space<semaphore_mem>>)
      %dma_wait3A = arith.constant 0 : i32
      %dma_wait3A_66 = arith.constant 0 : i32
      %dma_wait3A_67 = tpu.memref_slice %arg8[%dma_wait3A, %dma_wait3A_66] : memref<128x128xf32, #tpu.memory_space<vmem>> -> memref<128x128xf32, #tpu.memory_space<vmem>>
      %dma_wait3A_68 = arith.constant 0 : i32
      %dma_wait3A_69 = tpu.memref_slice %arg10[%add3A_13, %dma_wait3A_68] : memref<10112x128xf32, #tpu.memory_space<vmem_shared>> -> memref<128x128xf32, #tpu.memory_space<vmem_shared>>
      %dma_wait3A_70 = arith.constant 0 : i32
      %dma_wait3A_71 = tpu.memref_slice %arg10[%add3A_13, %dma_wait3A_70] : memref<10112x128xf32, #tpu.memory_space<vmem_shared>> -> memref<128x128xf32, #tpu.memory_space<vmem_shared>>
      %dma_wait3A_72 = arith.constant 0 : i32
      %dma_wait3A_73 = arith.constant 0 : i32
      %dma_wait3A_74 = tpu.memref_slice %arg8[%dma_wait3A_72, %dma_wait3A_73] : memref<128x128xf32, #tpu.memory_space<vmem>> -> memref<128x128xf32, #tpu.memory_space<vmem>>
      tpu.wait_dma2 semaphore(%run_scoped3A : memref<!tpu.dma_semaphore, #tpu.memory_space<semaphore_mem>>) src(%dma_wait3A_74 : memref<128x128xf32, #tpu.memory_space<vmem>>) dst(%dma_wait3A_71 : memref<128x128xf32, #tpu.memory_space<vmem_shared>>)
      tpu.yield
    }) : () -> ()
    %add3A_14 = arith.constant 384 : i32
    %add3A_15 = arith.addi %mul3A_7, %add3A_14 : i32
    "tpu.region"() ({
      %run_scoped3A = tpu.sem_alloc : memref<!tpu.dma_semaphore, #tpu.memory_space<semaphore_mem>>
      %dma_start3A_56 = arith.constant 0 : i32
      %dma_start3A_57 = arith.constant 0 : i32
      %dma_start3A_58 = tpu.memref_slice %arg8[%dma_start3A_56, %dma_start3A_57] : memref<128x128xf32, #tpu.memory_space<vmem>> -> memref<128x128xf32, #tpu.memory_space<vmem>>
      %dma_start3A_59 = arith.constant 0 : i32
      %dma_start3A_60 = tpu.memref_slice %arg10[%add3A_15, %dma_start3A_59] : memref<10112x128xf32, #tpu.memory_space<vmem_shared>> -> memref<128x128xf32, #tpu.memory_space<vmem_shared>>
      %dma_start3A_61 = arith.constant 0 : i32
      %dma_start3A_62 = tpu.memref_slice %arg10[%add3A_15, %dma_start3A_61] : memref<10112x128xf32, #tpu.memory_space<vmem_shared>> -> memref<128x128xf32, #tpu.memory_space<vmem_shared>>
      %dma_start3A_63 = arith.constant 0 : i32
      %dma_start3A_64 = arith.constant 0 : i32
      %dma_start3A_65 = tpu.memref_slice %arg8[%dma_start3A_63, %dma_start3A_64] : memref<128x128xf32, #tpu.memory_space<vmem>> -> memref<128x128xf32, #tpu.memory_space<vmem>>
      tpu.enqueue_dma source(%dma_start3A_65 : memref<128x128xf32, #tpu.memory_space<vmem>>) target(%dma_start3A_62 : memref<128x128xf32, #tpu.memory_space<vmem_shared>>) target_semaphore(%run_scoped3A : memref<!tpu.dma_semaphore, #tpu.memory_space<semaphore_mem>>)
      %dma_wait3A = arith.constant 0 : i32
      %dma_wait3A_66 = arith.constant 0 : i32
      %dma_wait3A_67 = tpu.memref_slice %arg8[%dma_wait3A, %dma_wait3A_66] : memref<128x128xf32, #tpu.memory_space<vmem>> -> memref<128x128xf32, #tpu.memory_space<vmem>>
      %dma_wait3A_68 = arith.constant 0 : i32
      %dma_wait3A_69 = tpu.memref_slice %arg10[%add3A_15, %dma_wait3A_68] : memref<10112x128xf32, #tpu.memory_space<vmem_shared>> -> memref<128x128xf32, #tpu.memory_space<vmem_shared>>
      %dma_wait3A_70 = arith.constant 0 : i32
      %dma_wait3A_71 = tpu.memref_slice %arg10[%add3A_15, %dma_wait3A_70] : memref<10112x128xf32, #tpu.memory_space<vmem_shared>> -> memref<128x128xf32, #tpu.memory_space<vmem_shared>>
      %dma_wait3A_72 = arith.constant 0 : i32
      %dma_wait3A_73 = arith.constant 0 : i32
      %dma_wait3A_74 = tpu.memref_slice %arg8[%dma_wait3A_72, %dma_wait3A_73] : memref<128x128xf32, #tpu.memory_space<vmem>> -> memref<128x128xf32, #tpu.memory_space<vmem>>
      tpu.wait_dma2 semaphore(%run_scoped3A : memref<!tpu.dma_semaphore, #tpu.memory_space<semaphore_mem>>) src(%dma_wait3A_74 : memref<128x128xf32, #tpu.memory_space<vmem>>) dst(%dma_wait3A_71 : memref<128x128xf32, #tpu.memory_space<vmem_shared>>)
      tpu.yield
    }) : () -> ()
    %add3A_16 = arith.constant 512 : i32
    %add3A_17 = arith.addi %mul3A_7, %add3A_16 : i32
    "tpu.region"() ({
      %run_scoped3A = tpu.sem_alloc : memref<!tpu.dma_semaphore, #tpu.memory_space<semaphore_mem>>
      %dma_start3A_56 = arith.constant 0 : i32
      %dma_start3A_57 = arith.constant 0 : i32
      %dma_start3A_58 = tpu.memref_slice %arg8[%dma_start3A_56, %dma_start3A_57] : memref<128x128xf32, #tpu.memory_space<vmem>> -> memref<120x128xf32, #tpu.memory_space<vmem>>
      %dma_start3A_59 = arith.constant 0 : i32
      %dma_start3A_60 = tpu.memref_slice %arg10[%add3A_17, %dma_start3A_59] : memref<10112x128xf32, #tpu.memory_space<vmem_shared>> -> memref<120x128xf32, #tpu.memory_space<vmem_shared>>
      %dma_start3A_61 = arith.constant 0 : i32
      %dma_start3A_62 = tpu.memref_slice %arg10[%add3A_17, %dma_start3A_61] : memref<10112x128xf32, #tpu.memory_space<vmem_shared>> -> memref<120x128xf32, #tpu.memory_space<vmem_shared>>
      %dma_start3A_63 = arith.constant 0 : i32
      %dma_start3A_64 = arith.constant 0 : i32
      %dma_start3A_65 = tpu.memref_slice %arg8[%dma_start3A_63, %dma_start3A_64] : memref<128x128xf32, #tpu.memory_space<vmem>> -> memref<120x128xf32, #tpu.memory_space<vmem>>
      tpu.enqueue_dma source(%dma_start3A_65 : memref<120x128xf32, #tpu.memory_space<vmem>>) target(%dma_start3A_62 : memref<120x128xf32, #tpu.memory_space<vmem_shared>>) target_semaphore(%run_scoped3A : memref<!tpu.dma_semaphore, #tpu.memory_space<semaphore_mem>>)
      %dma_wait3A = arith.constant 0 : i32
      %dma_wait3A_66 = arith.constant 0 : i32
      %dma_wait3A_67 = tpu.memref_slice %arg8[%dma_wait3A, %dma_wait3A_66] : memref<128x128xf32, #tpu.memory_space<vmem>> -> memref<120x128xf32, #tpu.memory_space<vmem>>
      %dma_wait3A_68 = arith.constant 0 : i32
      %dma_wait3A_69 = tpu.memref_slice %arg10[%add3A_17, %dma_wait3A_68] : memref<10112x128xf32, #tpu.memory_space<vmem_shared>> -> memref<120x128xf32, #tpu.memory_space<vmem_shared>>
      %dma_wait3A_70 = arith.constant 0 : i32
      %dma_wait3A_71 = tpu.memref_slice %arg10[%add3A_17, %dma_wait3A_70] : memref<10112x128xf32, #tpu.memory_space<vmem_shared>> -> memref<120x128xf32, #tpu.memory_space<vmem_shared>>
      %dma_wait3A_72 = arith.constant 0 : i32
      %dma_wait3A_73 = arith.constant 0 : i32
      %dma_wait3A_74 = tpu.memref_slice %arg8[%dma_wait3A_72, %dma_wait3A_73] : memref<128x128xf32, #tpu.memory_space<vmem>> -> memref<120x128xf32, #tpu.memory_space<vmem>>
      tpu.wait_dma2 semaphore(%run_scoped3A : memref<!tpu.dma_semaphore, #tpu.memory_space<semaphore_mem>>) src(%dma_wait3A_74 : memref<120x128xf32, #tpu.memory_space<vmem>>) dst(%dma_wait3A_71 : memref<120x128xf32, #tpu.memory_space<vmem_shared>>)
      tpu.yield
    }) : () -> ()
    %barrier3A = arith.constant 0 : index
    tpu.barrier barrier_id(%barrier3A)
    "tpu.region"() ({
      %run_scoped3A = tpu.sem_alloc : memref<!tpu.dma_semaphore, #tpu.memory_space<semaphore_mem>>
      %dma_start3A_56 = arith.constant 0 : i32
      %dma_start3A_57 = arith.constant 0 : i32
      %dma_start3A_58 = tpu.memref_slice %arg3[%add3A, %dma_start3A_56, %dma_start3A_57] : memref<32x80x128xi32, #tpu.memory_space<hbm>> -> memref<1x40x128xi32, #tpu.memory_space<hbm>>
      %dma_start3A_59 = tpu.memref_squeeze %dma_start3A_58 : memref<1x40x128xi32, #tpu.memory_space<hbm>> -> memref<40x128xi32, #tpu.memory_space<hbm>>
      %dma_start3A_60 = arith.constant 0 : i32
      %dma_start3A_61 = arith.constant 0 : i32
      %dma_start3A_62 = tpu.memref_slice %arg3[%add3A, %dma_start3A_60, %dma_start3A_61] : memref<32x80x128xi32, #tpu.memory_space<hbm>> -> memref<1x40x128xi32, #tpu.memory_space<hbm>>
      %dma_start3A_63 = tpu.memref_squeeze %dma_start3A_62 : memref<1x40x128xi32, #tpu.memory_space<hbm>> -> memref<40x128xi32, #tpu.memory_space<hbm>>
      tpu.enqueue_dma source(%dma_start3A_63 : memref<40x128xi32, #tpu.memory_space<hbm>>) target(%arg6 : memref<40x128xi32, #tpu.memory_space<vmem>>) target_semaphore(%run_scoped3A : memref<!tpu.dma_semaphore, #tpu.memory_space<semaphore_mem>>)
      %dma_wait3A = arith.constant 0 : i32
      %dma_wait3A_64 = arith.constant 0 : i32
      %dma_wait3A_65 = tpu.memref_slice %arg3[%add3A, %dma_wait3A, %dma_wait3A_64] : memref<32x80x128xi32, #tpu.memory_space<hbm>> -> memref<1x40x128xi32, #tpu.memory_space<hbm>>
      %dma_wait3A_66 = tpu.memref_squeeze %dma_wait3A_65 : memref<1x40x128xi32, #tpu.memory_space<hbm>> -> memref<40x128xi32, #tpu.memory_space<hbm>>
      %dma_wait3A_67 = arith.constant 0 : i32
      %dma_wait3A_68 = arith.constant 0 : i32
      %dma_wait3A_69 = tpu.memref_slice %arg3[%add3A, %dma_wait3A_67, %dma_wait3A_68] : memref<32x80x128xi32, #tpu.memory_space<hbm>> -> memref<1x40x128xi32, #tpu.memory_space<hbm>>
      %dma_wait3A_70 = tpu.memref_squeeze %dma_wait3A_69 : memref<1x40x128xi32, #tpu.memory_space<hbm>> -> memref<40x128xi32, #tpu.memory_space<hbm>>
      tpu.wait_dma2 semaphore(%run_scoped3A : memref<!tpu.dma_semaphore, #tpu.memory_space<semaphore_mem>>) src(%dma_wait3A_70 : memref<40x128xi32, #tpu.memory_space<hbm>>) dst(%arg6 : memref<40x128xi32, #tpu.memory_space<vmem>>)
      tpu.yield
    }) : () -> ()
    "tpu.region"() ({
      %run_scoped3A = tpu.sem_alloc : memref<!tpu.dma_semaphore, #tpu.memory_space<semaphore_mem>>
      %dma_start3A_56 = arith.constant 0 : i32
      %dma_start3A_57 = arith.constant 0 : i32
      %dma_start3A_58 = tpu.memref_slice %arg4[%add3A, %dma_start3A_56, %dma_start3A_57] : memref<32x80x128xi32, #tpu.memory_space<hbm>> -> memref<1x40x128xi32, #tpu.memory_space<hbm>>
      %dma_start3A_59 = tpu.memref_squeeze %dma_start3A_58 : memref<1x40x128xi32, #tpu.memory_space<hbm>> -> memref<40x128xi32, #tpu.memory_space<hbm>>
      %dma_start3A_60 = arith.constant 0 : i32
      %dma_start3A_61 = arith.constant 0 : i32
      %dma_start3A_62 = tpu.memref_slice %arg4[%add3A, %dma_start3A_60, %dma_start3A_61] : memref<32x80x128xi32, #tpu.memory_space<hbm>> -> memref<1x40x128xi32, #tpu.memory_space<hbm>>
      %dma_start3A_63 = tpu.memref_squeeze %dma_start3A_62 : memref<1x40x128xi32, #tpu.memory_space<hbm>> -> memref<40x128xi32, #tpu.memory_space<hbm>>
      tpu.enqueue_dma source(%dma_start3A_63 : memref<40x128xi32, #tpu.memory_space<hbm>>) target(%arg7 : memref<40x128xi32, #tpu.memory_space<vmem>>) target_semaphore(%run_scoped3A : memref<!tpu.dma_semaphore, #tpu.memory_space<semaphore_mem>>)
      %dma_wait3A = arith.constant 0 : i32
      %dma_wait3A_64 = arith.constant 0 : i32
      %dma_wait3A_65 = tpu.memref_slice %arg4[%add3A, %dma_wait3A, %dma_wait3A_64] : memref<32x80x128xi32, #tpu.memory_space<hbm>> -> memref<1x40x128xi32, #tpu.memory_space<hbm>>
      %dma_wait3A_66 = tpu.memref_squeeze %dma_wait3A_65 : memref<1x40x128xi32, #tpu.memory_space<hbm>> -> memref<40x128xi32, #tpu.memory_space<hbm>>
      %dma_wait3A_67 = arith.constant 0 : i32
      %dma_wait3A_68 = arith.constant 0 : i32
      %dma_wait3A_69 = tpu.memref_slice %arg4[%add3A, %dma_wait3A_67, %dma_wait3A_68] : memref<32x80x128xi32, #tpu.memory_space<hbm>> -> memref<1x40x128xi32, #tpu.memory_space<hbm>>
      %dma_wait3A_70 = tpu.memref_squeeze %dma_wait3A_69 : memref<1x40x128xi32, #tpu.memory_space<hbm>> -> memref<40x128xi32, #tpu.memory_space<hbm>>
      tpu.wait_dma2 semaphore(%run_scoped3A : memref<!tpu.dma_semaphore, #tpu.memory_space<semaphore_mem>>) src(%dma_wait3A_70 : memref<40x128xi32, #tpu.memory_space<hbm>>) dst(%arg7 : memref<40x128xi32, #tpu.memory_space<vmem>>)
      tpu.yield
    }) : () -> ()
    %dma_start3A = arith.constant 0 : i32
    %dma_start3A_18 = arith.constant 0 : i32
    %dma_start3A_19 = tpu.memref_slice %arg6[%dma_start3A, %dma_start3A_18] : memref<40x128xi32, #tpu.memory_space<vmem>> -> memref<1x128xi32, #tpu.memory_space<vmem>>
    %dma_start3A_20 = tpu.memref_squeeze %dma_start3A_19 : memref<1x128xi32, #tpu.memory_space<vmem>> -> memref<128xi32, #tpu.memory_space<vmem>>
    %dma_start3A_21 = arith.constant 0 : i32
    %dma_start3A_22 = arith.constant 0 : i32
    %dma_start3A_23 = tpu.memref_slice %arg2[%dma_start3A_21, %dma_start3A_22] : memref<10000x128xf32, #tpu.memory_space<hbm>> -> memref<10000x128xf32, #tpu.memory_space<hbm>>
    tpu.enqueue_indirect_dma source(%dma_start3A_23 : memref<10000x128xf32, #tpu.memory_space<hbm>>) target(%arg8 : memref<128x128xf32, #tpu.memory_space<vmem>>) offsets(%dma_start3A_20 : memref<128xi32, #tpu.memory_space<vmem>>) semaphore(%arg11 : memref<!tpu.dma_semaphore, #tpu.memory_space<semaphore_mem>>)
    %dma_start3A_24 = arith.constant 1 : i32
    %dma_start3A_25 = arith.constant 0 : i32
    %dma_start3A_26 = tpu.memref_slice %arg6[%dma_start3A_24, %dma_start3A_25] : memref<40x128xi32, #tpu.memory_space<vmem>> -> memref<1x128xi32, #tpu.memory_space<vmem>>
    %dma_start3A_27 = tpu.memref_squeeze %dma_start3A_26 : memref<1x128xi32, #tpu.memory_space<vmem>> -> memref<128xi32, #tpu.memory_space<vmem>>
    %dma_start3A_28 = arith.constant 0 : i32
    %dma_start3A_29 = arith.constant 0 : i32
    %dma_start3A_30 = tpu.memref_slice %arg2[%dma_start3A_28, %dma_start3A_29] : memref<10000x128xf32, #tpu.memory_space<hbm>> -> memref<10000x128xf32, #tpu.memory_space<hbm>>
    tpu.enqueue_indirect_dma source(%dma_start3A_30 : memref<10000x128xf32, #tpu.memory_space<hbm>>) target(%arg9 : memref<128x128xf32, #tpu.memory_space<vmem>>) offsets(%dma_start3A_27 : memref<128xi32, #tpu.memory_space<vmem>>) semaphore(%arg12 : memref<!tpu.dma_semaphore, #tpu.memory_space<semaphore_mem>>)
    %scan3A_31 = arith.constant 0 : i32
    %scan3A_32 = arith.constant 20 : i32
    %scan3A_33 = arith.addi %scan3A_31, %scan3A_32 : i32
    %scan3A_34 = arith.constant 1 : i32
    scf.for %scan3A_56 = %scan3A_31 to %scan3A_33 step %scan3A_34  : i32 {
      %mul3A_57 = arith.constant 2 : i32
      %mul3A_58 = arith.muli %scan3A_56, %mul3A_57 : i32
      %add3A_59 = arith.constant 0 : i32
      %add3A_60 = arith.addi %add3A_59, %mul3A_58 : i32
      %dma_wait3A = arith.constant 0 : i32
      %dma_wait3A_61 = tpu.memref_slice %arg6[%add3A_60, %dma_wait3A] : memref<40x128xi32, #tpu.memory_space<vmem>> -> memref<1x128xi32, #tpu.memory_space<vmem>>
      %dma_wait3A_62 = tpu.memref_squeeze %dma_wait3A_61 : memref<1x128xi32, #tpu.memory_space<vmem>> -> memref<128xi32, #tpu.memory_space<vmem>>
      %dma_wait3A_63 = arith.constant 0 : i32
      %dma_wait3A_64 = arith.constant 0 : i32
      %dma_wait3A_65 = tpu.memref_slice %arg2[%dma_wait3A_63, %dma_wait3A_64] : memref<10000x128xf32, #tpu.memory_space<hbm>> -> memref<10000x128xf32, #tpu.memory_space<hbm>>
      tpu.wait_indirect_dma semaphore(%arg11 : memref<!tpu.dma_semaphore, #tpu.memory_space<semaphore_mem>>) src(%dma_wait3A_65 : memref<10000x128xf32, #tpu.memory_space<hbm>>) dst(%arg8 : memref<128x128xf32, #tpu.memory_space<vmem>>)
      "tpu.region"() ({
        %run_scoped3A = tpu.sem_alloc : memref<!tpu.dma_semaphore, #tpu.memory_space<semaphore_mem>>
        %dma_start3A_87 = arith.constant 0 : i32
        %dma_start3A_88 = tpu.memref_slice %arg7[%add3A_60, %dma_start3A_87] : memref<40x128xi32, #tpu.memory_space<vmem>> -> memref<1x128xi32, #tpu.memory_space<vmem>>
        %dma_start3A_89 = tpu.memref_squeeze %dma_start3A_88 : memref<1x128xi32, #tpu.memory_space<vmem>> -> memref<128xi32, #tpu.memory_space<vmem>>
        %dma_start3A_90 = arith.constant 0 : i32
        %dma_start3A_91 = arith.constant 0 : i32
        %dma_start3A_92 = tpu.memref_slice %arg10[%dma_start3A_90, %dma_start3A_91] : memref<10112x128xf32, #tpu.memory_space<vmem_shared>> -> memref<10112x128xf32, #tpu.memory_space<vmem_shared>>
        tpu.enqueue_indirect_dma source(%arg8 : memref<128x128xf32, #tpu.memory_space<vmem>>) target(%dma_start3A_92 : memref<10112x128xf32, #tpu.memory_space<vmem_shared>>) offsets(%dma_start3A_89 : memref<128xi32, #tpu.memory_space<vmem>>) semaphore(%run_scoped3A : memref<!tpu.dma_semaphore, #tpu.memory_space<semaphore_mem>>) {add = true}
        %dma_wait3A_93 = arith.constant 0 : i32
        %dma_wait3A_94 = tpu.memref_slice %arg7[%add3A_60, %dma_wait3A_93] : memref<40x128xi32, #tpu.memory_space<vmem>> -> memref<1x128xi32, #tpu.memory_space<vmem>>
        %dma_wait3A_95 = tpu.memref_squeeze %dma_wait3A_94 : memref<1x128xi32, #tpu.memory_space<vmem>> -> memref<128xi32, #tpu.memory_space<vmem>>
        %dma_wait3A_96 = arith.constant 0 : i32
        %dma_wait3A_97 = arith.constant 0 : i32
        %dma_wait3A_98 = tpu.memref_slice %arg10[%dma_wait3A_96, %dma_wait3A_97] : memref<10112x128xf32, #tpu.memory_space<vmem_shared>> -> memref<10112x128xf32, #tpu.memory_space<vmem_shared>>
        tpu.wait_indirect_dma semaphore(%run_scoped3A : memref<!tpu.dma_semaphore, #tpu.memory_space<semaphore_mem>>) src(%arg8 : memref<128x128xf32, #tpu.memory_space<vmem>>) dst(%dma_wait3A_98 : memref<10112x128xf32, #tpu.memory_space<vmem_shared>>)
        tpu.yield
      }) : () -> ()
      %add3A_66 = arith.constant 2 : i32
      %add3A_67 = arith.addi %add3A_60, %add3A_66 : i32
      %lt3A = arith.constant 40 : i32
      %lt3A_68 = arith.cmpi slt, %add3A_67, %lt3A : i32
      %convert_element_type3A = arith.extui %lt3A_68 : i1 to i32
      %cond3A = arith.constant 0 : i32
      %cond3A_69 = arith.cmpi ne, %convert_element_type3A, %cond3A : i32
      scf.if %cond3A_69 {
        %add3A_87 = arith.constant 2 : i32
        %add3A_88 = arith.addi %add3A_60, %add3A_87 : i32
        %dma_start3A_89 = arith.constant 0 : i32
        %dma_start3A_90 = tpu.memref_slice %arg6[%add3A_88, %dma_start3A_89] : memref<40x128xi32, #tpu.memory_space<vmem>> -> memref<1x128xi32, #tpu.memory_space<vmem>>
        %dma_start3A_91 = tpu.memref_squeeze %dma_start3A_90 : memref<1x128xi32, #tpu.memory_space<vmem>> -> memref<128xi32, #tpu.memory_space<vmem>>
        %dma_start3A_92 = arith.constant 0 : i32
        %dma_start3A_93 = arith.constant 0 : i32
        %dma_start3A_94 = tpu.memref_slice %arg2[%dma_start3A_92, %dma_start3A_93] : memref<10000x128xf32, #tpu.memory_space<hbm>> -> memref<10000x128xf32, #tpu.memory_space<hbm>>
        tpu.enqueue_indirect_dma source(%dma_start3A_94 : memref<10000x128xf32, #tpu.memory_space<hbm>>) target(%arg8 : memref<128x128xf32, #tpu.memory_space<vmem>>) offsets(%dma_start3A_91 : memref<128xi32, #tpu.memory_space<vmem>>) semaphore(%arg11 : memref<!tpu.dma_semaphore, #tpu.memory_space<semaphore_mem>>)
      } else {
      }
      %add3A_70 = arith.constant 1 : i32
      %add3A_71 = arith.addi %add3A_60, %add3A_70 : i32
      %dma_wait3A_72 = arith.constant 0 : i32
      %dma_wait3A_73 = tpu.memref_slice %arg6[%add3A_71, %dma_wait3A_72] : memref<40x128xi32, #tpu.memory_space<vmem>> -> memref<1x128xi32, #tpu.memory_space<vmem>>
      %dma_wait3A_74 = tpu.memref_squeeze %dma_wait3A_73 : memref<1x128xi32, #tpu.memory_space<vmem>> -> memref<128xi32, #tpu.memory_space<vmem>>
      %dma_wait3A_75 = arith.constant 0 : i32
      %dma_wait3A_76 = arith.constant 0 : i32
      %dma_wait3A_77 = tpu.memref_slice %arg2[%dma_wait3A_75, %dma_wait3A_76] : memref<10000x128xf32, #tpu.memory_space<hbm>> -> memref<10000x128xf32, #tpu.memory_space<hbm>>
      tpu.wait_indirect_dma semaphore(%arg12 : memref<!tpu.dma_semaphore, #tpu.memory_space<semaphore_mem>>) src(%dma_wait3A_77 : memref<10000x128xf32, #tpu.memory_space<hbm>>) dst(%arg9 : memref<128x128xf32, #tpu.memory_space<vmem>>)
      %add3A_78 = arith.constant 1 : i32
      %add3A_79 = arith.addi %add3A_60, %add3A_78 : i32
      "tpu.region"() ({
        %run_scoped3A = tpu.sem_alloc : memref<!tpu.dma_semaphore, #tpu.memory_space<semaphore_mem>>
        %dma_start3A_87 = arith.constant 0 : i32
        %dma_start3A_88 = tpu.memref_slice %arg7[%add3A_79, %dma_start3A_87] : memref<40x128xi32, #tpu.memory_space<vmem>> -> memref<1x128xi32, #tpu.memory_space<vmem>>
        %dma_start3A_89 = tpu.memref_squeeze %dma_start3A_88 : memref<1x128xi32, #tpu.memory_space<vmem>> -> memref<128xi32, #tpu.memory_space<vmem>>
        %dma_start3A_90 = arith.constant 0 : i32
        %dma_start3A_91 = arith.constant 0 : i32
        %dma_start3A_92 = tpu.memref_slice %arg10[%dma_start3A_90, %dma_start3A_91] : memref<10112x128xf32, #tpu.memory_space<vmem_shared>> -> memref<10112x128xf32, #tpu.memory_space<vmem_shared>>
        tpu.enqueue_indirect_dma source(%arg9 : memref<128x128xf32, #tpu.memory_space<vmem>>) target(%dma_start3A_92 : memref<10112x128xf32, #tpu.memory_space<vmem_shared>>) offsets(%dma_start3A_89 : memref<128xi32, #tpu.memory_space<vmem>>) semaphore(%run_scoped3A : memref<!tpu.dma_semaphore, #tpu.memory_space<semaphore_mem>>) {add = true}
        %dma_wait3A_93 = arith.constant 0 : i32
        %dma_wait3A_94 = tpu.memref_slice %arg7[%add3A_79, %dma_wait3A_93] : memref<40x128xi32, #tpu.memory_space<vmem>> -> memref<1x128xi32, #tpu.memory_space<vmem>>
        %dma_wait3A_95 = tpu.memref_squeeze %dma_wait3A_94 : memref<1x128xi32, #tpu.memory_space<vmem>> -> memref<128xi32, #tpu.memory_space<vmem>>
        %dma_wait3A_96 = arith.constant 0 : i32
        %dma_wait3A_97 = arith.constant 0 : i32
        %dma_wait3A_98 = tpu.memref_slice %arg10[%dma_wait3A_96, %dma_wait3A_97] : memref<10112x128xf32, #tpu.memory_space<vmem_shared>> -> memref<10112x128xf32, #tpu.memory_space<vmem_shared>>
        tpu.wait_indirect_dma semaphore(%run_scoped3A : memref<!tpu.dma_semaphore, #tpu.memory_space<semaphore_mem>>) src(%arg9 : memref<128x128xf32, #tpu.memory_space<vmem>>) dst(%dma_wait3A_98 : memref<10112x128xf32, #tpu.memory_space<vmem_shared>>)
        tpu.yield
      }) : () -> ()
      %add3A_80 = arith.constant 3 : i32
      %add3A_81 = arith.addi %add3A_60, %add3A_80 : i32
      %lt3A_82 = arith.constant 40 : i32
      %lt3A_83 = arith.cmpi slt, %add3A_81, %lt3A_82 : i32
      %convert_element_type3A_84 = arith.extui %lt3A_83 : i1 to i32
      %cond3A_85 = arith.constant 0 : i32
      %cond3A_86 = arith.cmpi ne, %convert_element_type3A_84, %cond3A_85 : i32
      scf.if %cond3A_86 {
        %add3A_87 = arith.constant 3 : i32
        %add3A_88 = arith.addi %add3A_60, %add3A_87 : i32
        %dma_start3A_89 = arith.constant 0 : i32
        %dma_start3A_90 = tpu.memref_slice %arg6[%add3A_88, %dma_start3A_89] : memref<40x128xi32, #tpu.memory_space<vmem>> -> memref<1x128xi32, #tpu.memory_space<vmem>>
        %dma_start3A_91 = tpu.memref_squeeze %dma_start3A_90 : memref<1x128xi32, #tpu.memory_space<vmem>> -> memref<128xi32, #tpu.memory_space<vmem>>
        %dma_start3A_92 = arith.constant 0 : i32
        %dma_start3A_93 = arith.constant 0 : i32
        %dma_start3A_94 = tpu.memref_slice %arg2[%dma_start3A_92, %dma_start3A_93] : memref<10000x128xf32, #tpu.memory_space<hbm>> -> memref<10000x128xf32, #tpu.memory_space<hbm>>
        tpu.enqueue_indirect_dma source(%dma_start3A_94 : memref<10000x128xf32, #tpu.memory_space<hbm>>) target(%arg9 : memref<128x128xf32, #tpu.memory_space<vmem>>) offsets(%dma_start3A_91 : memref<128xi32, #tpu.memory_space<vmem>>) semaphore(%arg12 : memref<!tpu.dma_semaphore, #tpu.memory_space<semaphore_mem>>)
      } else {
      }
    }
    %scan3A_35 = arith.constant 20 : i32
    "tpu.region"() ({
      %run_scoped3A = tpu.sem_alloc : memref<!tpu.dma_semaphore, #tpu.memory_space<semaphore_mem>>
      %dma_start3A_56 = arith.constant 40 : i32
      %dma_start3A_57 = arith.constant 0 : i32
      %dma_start3A_58 = tpu.memref_slice %arg3[%add3A, %dma_start3A_56, %dma_start3A_57] : memref<32x80x128xi32, #tpu.memory_space<hbm>> -> memref<1x40x128xi32, #tpu.memory_space<hbm>>
      %dma_start3A_59 = tpu.memref_squeeze %dma_start3A_58 : memref<1x40x128xi32, #tpu.memory_space<hbm>> -> memref<40x128xi32, #tpu.memory_space<hbm>>
      %dma_start3A_60 = arith.constant 40 : i32
      %dma_start3A_61 = arith.constant 0 : i32
      %dma_start3A_62 = tpu.memref_slice %arg3[%add3A, %dma_start3A_60, %dma_start3A_61] : memref<32x80x128xi32, #tpu.memory_space<hbm>> -> memref<1x40x128xi32, #tpu.memory_space<hbm>>
      %dma_start3A_63 = tpu.memref_squeeze %dma_start3A_62 : memref<1x40x128xi32, #tpu.memory_space<hbm>> -> memref<40x128xi32, #tpu.memory_space<hbm>>
      tpu.enqueue_dma source(%dma_start3A_63 : memref<40x128xi32, #tpu.memory_space<hbm>>) target(%arg6 : memref<40x128xi32, #tpu.memory_space<vmem>>) target_semaphore(%run_scoped3A : memref<!tpu.dma_semaphore, #tpu.memory_space<semaphore_mem>>)
      %dma_wait3A = arith.constant 40 : i32
      %dma_wait3A_64 = arith.constant 0 : i32
      %dma_wait3A_65 = tpu.memref_slice %arg3[%add3A, %dma_wait3A, %dma_wait3A_64] : memref<32x80x128xi32, #tpu.memory_space<hbm>> -> memref<1x40x128xi32, #tpu.memory_space<hbm>>
      %dma_wait3A_66 = tpu.memref_squeeze %dma_wait3A_65 : memref<1x40x128xi32, #tpu.memory_space<hbm>> -> memref<40x128xi32, #tpu.memory_space<hbm>>
      %dma_wait3A_67 = arith.constant 40 : i32
      %dma_wait3A_68 = arith.constant 0 : i32
      %dma_wait3A_69 = tpu.memref_slice %arg3[%add3A, %dma_wait3A_67, %dma_wait3A_68] : memref<32x80x128xi32, #tpu.memory_space<hbm>> -> memref<1x40x128xi32, #tpu.memory_space<hbm>>
      %dma_wait3A_70 = tpu.memref_squeeze %dma_wait3A_69 : memref<1x40x128xi32, #tpu.memory_space<hbm>> -> memref<40x128xi32, #tpu.memory_space<hbm>>
      tpu.wait_dma2 semaphore(%run_scoped3A : memref<!tpu.dma_semaphore, #tpu.memory_space<semaphore_mem>>) src(%dma_wait3A_70 : memref<40x128xi32, #tpu.memory_space<hbm>>) dst(%arg6 : memref<40x128xi32, #tpu.memory_space<vmem>>)
      tpu.yield
    }) : () -> ()
    "tpu.region"() ({
      %run_scoped3A = tpu.sem_alloc : memref<!tpu.dma_semaphore, #tpu.memory_space<semaphore_mem>>
      %dma_start3A_56 = arith.constant 40 : i32
      %dma_start3A_57 = arith.constant 0 : i32
      %dma_start3A_58 = tpu.memref_slice %arg4[%add3A, %dma_start3A_56, %dma_start3A_57] : memref<32x80x128xi32, #tpu.memory_space<hbm>> -> memref<1x40x128xi32, #tpu.memory_space<hbm>>
      %dma_start3A_59 = tpu.memref_squeeze %dma_start3A_58 : memref<1x40x128xi32, #tpu.memory_space<hbm>> -> memref<40x128xi32, #tpu.memory_space<hbm>>
      %dma_start3A_60 = arith.constant 40 : i32
      %dma_start3A_61 = arith.constant 0 : i32
      %dma_start3A_62 = tpu.memref_slice %arg4[%add3A, %dma_start3A_60, %dma_start3A_61] : memref<32x80x128xi32, #tpu.memory_space<hbm>> -> memref<1x40x128xi32, #tpu.memory_space<hbm>>
      %dma_start3A_63 = tpu.memref_squeeze %dma_start3A_62 : memref<1x40x128xi32, #tpu.memory_space<hbm>> -> memref<40x128xi32, #tpu.memory_space<hbm>>
      tpu.enqueue_dma source(%dma_start3A_63 : memref<40x128xi32, #tpu.memory_space<hbm>>) target(%arg7 : memref<40x128xi32, #tpu.memory_space<vmem>>) target_semaphore(%run_scoped3A : memref<!tpu.dma_semaphore, #tpu.memory_space<semaphore_mem>>)
      %dma_wait3A = arith.constant 40 : i32
      %dma_wait3A_64 = arith.constant 0 : i32
      %dma_wait3A_65 = tpu.memref_slice %arg4[%add3A, %dma_wait3A, %dma_wait3A_64] : memref<32x80x128xi32, #tpu.memory_space<hbm>> -> memref<1x40x128xi32, #tpu.memory_space<hbm>>
      %dma_wait3A_66 = tpu.memref_squeeze %dma_wait3A_65 : memref<1x40x128xi32, #tpu.memory_space<hbm>> -> memref<40x128xi32, #tpu.memory_space<hbm>>
      %dma_wait3A_67 = arith.constant 40 : i32
      %dma_wait3A_68 = arith.constant 0 : i32
      %dma_wait3A_69 = tpu.memref_slice %arg4[%add3A, %dma_wait3A_67, %dma_wait3A_68] : memref<32x80x128xi32, #tpu.memory_space<hbm>> -> memref<1x40x128xi32, #tpu.memory_space<hbm>>
      %dma_wait3A_70 = tpu.memref_squeeze %dma_wait3A_69 : memref<1x40x128xi32, #tpu.memory_space<hbm>> -> memref<40x128xi32, #tpu.memory_space<hbm>>
      tpu.wait_dma2 semaphore(%run_scoped3A : memref<!tpu.dma_semaphore, #tpu.memory_space<semaphore_mem>>) src(%dma_wait3A_70 : memref<40x128xi32, #tpu.memory_space<hbm>>) dst(%arg7 : memref<40x128xi32, #tpu.memory_space<vmem>>)
      tpu.yield
    }) : () -> ()
    %dma_start3A_36 = arith.constant 0 : i32
    %dma_start3A_37 = arith.constant 0 : i32
    %dma_start3A_38 = tpu.memref_slice %arg6[%dma_start3A_36, %dma_start3A_37] : memref<40x128xi32, #tpu.memory_space<vmem>> -> memref<1x128xi32, #tpu.memory_space<vmem>>
    %dma_start3A_39 = tpu.memref_squeeze %dma_start3A_38 : memref<1x128xi32, #tpu.memory_space<vmem>> -> memref<128xi32, #tpu.memory_space<vmem>>
    %dma_start3A_40 = arith.constant 0 : i32
    %dma_start3A_41 = arith.constant 0 : i32
    %dma_start3A_42 = tpu.memref_slice %arg2[%dma_start3A_40, %dma_start3A_41] : memref<10000x128xf32, #tpu.memory_space<hbm>> -> memref<10000x128xf32, #tpu.memory_space<hbm>>
    tpu.enqueue_indirect_dma source(%dma_start3A_42 : memref<10000x128xf32, #tpu.memory_space<hbm>>) target(%arg8 : memref<128x128xf32, #tpu.memory_space<vmem>>) offsets(%dma_start3A_39 : memref<128xi32, #tpu.memory_space<vmem>>) semaphore(%arg11 : memref<!tpu.dma_semaphore, #tpu.memory_space<semaphore_mem>>)
    %dma_start3A_43 = arith.constant 1 : i32
    %dma_start3A_44 = arith.constant 0 : i32
    %dma_start3A_45 = tpu.memref_slice %arg6[%dma_start3A_43, %dma_start3A_44] : memref<40x128xi32, #tpu.memory_space<vmem>> -> memref<1x128xi32, #tpu.memory_space<vmem>>
    %dma_start3A_46 = tpu.memref_squeeze %dma_start3A_45 : memref<1x128xi32, #tpu.memory_space<vmem>> -> memref<128xi32, #tpu.memory_space<vmem>>
    %dma_start3A_47 = arith.constant 0 : i32
    %dma_start3A_48 = arith.constant 0 : i32
    %dma_start3A_49 = tpu.memref_slice %arg2[%dma_start3A_47, %dma_start3A_48] : memref<10000x128xf32, #tpu.memory_space<hbm>> -> memref<10000x128xf32, #tpu.memory_space<hbm>>
    tpu.enqueue_indirect_dma source(%dma_start3A_49 : memref<10000x128xf32, #tpu.memory_space<hbm>>) target(%arg9 : memref<128x128xf32, #tpu.memory_space<vmem>>) offsets(%dma_start3A_46 : memref<128xi32, #tpu.memory_space<vmem>>) semaphore(%arg12 : memref<!tpu.dma_semaphore, #tpu.memory_space<semaphore_mem>>)
    %scan3A_50 = arith.constant 0 : i32
    %scan3A_51 = arith.constant 20 : i32
    %scan3A_52 = arith.addi %scan3A_50, %scan3A_51 : i32
    %scan3A_53 = arith.constant 1 : i32
    scf.for %scan3A_56 = %scan3A_50 to %scan3A_52 step %scan3A_53  : i32 {
      %mul3A_57 = arith.constant 2 : i32
      %mul3A_58 = arith.muli %scan3A_56, %mul3A_57 : i32
      %add3A_59 = arith.constant 0 : i32
      %add3A_60 = arith.addi %add3A_59, %mul3A_58 : i32
      %dma_wait3A = arith.constant 0 : i32
      %dma_wait3A_61 = tpu.memref_slice %arg6[%add3A_60, %dma_wait3A] : memref<40x128xi32, #tpu.memory_space<vmem>> -> memref<1x128xi32, #tpu.memory_space<vmem>>
      %dma_wait3A_62 = tpu.memref_squeeze %dma_wait3A_61 : memref<1x128xi32, #tpu.memory_space<vmem>> -> memref<128xi32, #tpu.memory_space<vmem>>
      %dma_wait3A_63 = arith.constant 0 : i32
      %dma_wait3A_64 = arith.constant 0 : i32
      %dma_wait3A_65 = tpu.memref_slice %arg2[%dma_wait3A_63, %dma_wait3A_64] : memref<10000x128xf32, #tpu.memory_space<hbm>> -> memref<10000x128xf32, #tpu.memory_space<hbm>>
      tpu.wait_indirect_dma semaphore(%arg11 : memref<!tpu.dma_semaphore, #tpu.memory_space<semaphore_mem>>) src(%dma_wait3A_65 : memref<10000x128xf32, #tpu.memory_space<hbm>>) dst(%arg8 : memref<128x128xf32, #tpu.memory_space<vmem>>)
      "tpu.region"() ({
        %run_scoped3A = tpu.sem_alloc : memref<!tpu.dma_semaphore, #tpu.memory_space<semaphore_mem>>
        %dma_start3A_87 = arith.constant 0 : i32
        %dma_start3A_88 = tpu.memref_slice %arg7[%add3A_60, %dma_start3A_87] : memref<40x128xi32, #tpu.memory_space<vmem>> -> memref<1x128xi32, #tpu.memory_space<vmem>>
        %dma_start3A_89 = tpu.memref_squeeze %dma_start3A_88 : memref<1x128xi32, #tpu.memory_space<vmem>> -> memref<128xi32, #tpu.memory_space<vmem>>
        %dma_start3A_90 = arith.constant 0 : i32
        %dma_start3A_91 = arith.constant 0 : i32
        %dma_start3A_92 = tpu.memref_slice %arg10[%dma_start3A_90, %dma_start3A_91] : memref<10112x128xf32, #tpu.memory_space<vmem_shared>> -> memref<10112x128xf32, #tpu.memory_space<vmem_shared>>
        tpu.enqueue_indirect_dma source(%arg8 : memref<128x128xf32, #tpu.memory_space<vmem>>) target(%dma_start3A_92 : memref<10112x128xf32, #tpu.memory_space<vmem_shared>>) offsets(%dma_start3A_89 : memref<128xi32, #tpu.memory_space<vmem>>) semaphore(%run_scoped3A : memref<!tpu.dma_semaphore, #tpu.memory_space<semaphore_mem>>) {add = true}
        %dma_wait3A_93 = arith.constant 0 : i32
        %dma_wait3A_94 = tpu.memref_slice %arg7[%add3A_60, %dma_wait3A_93] : memref<40x128xi32, #tpu.memory_space<vmem>> -> memref<1x128xi32, #tpu.memory_space<vmem>>
        %dma_wait3A_95 = tpu.memref_squeeze %dma_wait3A_94 : memref<1x128xi32, #tpu.memory_space<vmem>> -> memref<128xi32, #tpu.memory_space<vmem>>
        %dma_wait3A_96 = arith.constant 0 : i32
        %dma_wait3A_97 = arith.constant 0 : i32
        %dma_wait3A_98 = tpu.memref_slice %arg10[%dma_wait3A_96, %dma_wait3A_97] : memref<10112x128xf32, #tpu.memory_space<vmem_shared>> -> memref<10112x128xf32, #tpu.memory_space<vmem_shared>>
        tpu.wait_indirect_dma semaphore(%run_scoped3A : memref<!tpu.dma_semaphore, #tpu.memory_space<semaphore_mem>>) src(%arg8 : memref<128x128xf32, #tpu.memory_space<vmem>>) dst(%dma_wait3A_98 : memref<10112x128xf32, #tpu.memory_space<vmem_shared>>)
        tpu.yield
      }) : () -> ()
      %add3A_66 = arith.constant 2 : i32
      %add3A_67 = arith.addi %add3A_60, %add3A_66 : i32
      %lt3A = arith.constant 40 : i32
      %lt3A_68 = arith.cmpi slt, %add3A_67, %lt3A : i32
      %convert_element_type3A = arith.extui %lt3A_68 : i1 to i32
      %cond3A = arith.constant 0 : i32
      %cond3A_69 = arith.cmpi ne, %convert_element_type3A, %cond3A : i32
      scf.if %cond3A_69 {
        %add3A_87 = arith.constant 2 : i32
        %add3A_88 = arith.addi %add3A_60, %add3A_87 : i32
        %dma_start3A_89 = arith.constant 0 : i32
        %dma_start3A_90 = tpu.memref_slice %arg6[%add3A_88, %dma_start3A_89] : memref<40x128xi32, #tpu.memory_space<vmem>> -> memref<1x128xi32, #tpu.memory_space<vmem>>
        %dma_start3A_91 = tpu.memref_squeeze %dma_start3A_90 : memref<1x128xi32, #tpu.memory_space<vmem>> -> memref<128xi32, #tpu.memory_space<vmem>>
        %dma_start3A_92 = arith.constant 0 : i32
        %dma_start3A_93 = arith.constant 0 : i32
        %dma_start3A_94 = tpu.memref_slice %arg2[%dma_start3A_92, %dma_start3A_93] : memref<10000x128xf32, #tpu.memory_space<hbm>> -> memref<10000x128xf32, #tpu.memory_space<hbm>>
        tpu.enqueue_indirect_dma source(%dma_start3A_94 : memref<10000x128xf32, #tpu.memory_space<hbm>>) target(%arg8 : memref<128x128xf32, #tpu.memory_space<vmem>>) offsets(%dma_start3A_91 : memref<128xi32, #tpu.memory_space<vmem>>) semaphore(%arg11 : memref<!tpu.dma_semaphore, #tpu.memory_space<semaphore_mem>>)
      } else {
      }
      %add3A_70 = arith.constant 1 : i32
      %add3A_71 = arith.addi %add3A_60, %add3A_70 : i32
      %dma_wait3A_72 = arith.constant 0 : i32
      %dma_wait3A_73 = tpu.memref_slice %arg6[%add3A_71, %dma_wait3A_72] : memref<40x128xi32, #tpu.memory_space<vmem>> -> memref<1x128xi32, #tpu.memory_space<vmem>>
      %dma_wait3A_74 = tpu.memref_squeeze %dma_wait3A_73 : memref<1x128xi32, #tpu.memory_space<vmem>> -> memref<128xi32, #tpu.memory_space<vmem>>
      %dma_wait3A_75 = arith.constant 0 : i32
      %dma_wait3A_76 = arith.constant 0 : i32
      %dma_wait3A_77 = tpu.memref_slice %arg2[%dma_wait3A_75, %dma_wait3A_76] : memref<10000x128xf32, #tpu.memory_space<hbm>> -> memref<10000x128xf32, #tpu.memory_space<hbm>>
      tpu.wait_indirect_dma semaphore(%arg12 : memref<!tpu.dma_semaphore, #tpu.memory_space<semaphore_mem>>) src(%dma_wait3A_77 : memref<10000x128xf32, #tpu.memory_space<hbm>>) dst(%arg9 : memref<128x128xf32, #tpu.memory_space<vmem>>)
      %add3A_78 = arith.constant 1 : i32
      %add3A_79 = arith.addi %add3A_60, %add3A_78 : i32
      "tpu.region"() ({
        %run_scoped3A = tpu.sem_alloc : memref<!tpu.dma_semaphore, #tpu.memory_space<semaphore_mem>>
        %dma_start3A_87 = arith.constant 0 : i32
        %dma_start3A_88 = tpu.memref_slice %arg7[%add3A_79, %dma_start3A_87] : memref<40x128xi32, #tpu.memory_space<vmem>> -> memref<1x128xi32, #tpu.memory_space<vmem>>
        %dma_start3A_89 = tpu.memref_squeeze %dma_start3A_88 : memref<1x128xi32, #tpu.memory_space<vmem>> -> memref<128xi32, #tpu.memory_space<vmem>>
        %dma_start3A_90 = arith.constant 0 : i32
        %dma_start3A_91 = arith.constant 0 : i32
        %dma_start3A_92 = tpu.memref_slice %arg10[%dma_start3A_90, %dma_start3A_91] : memref<10112x128xf32, #tpu.memory_space<vmem_shared>> -> memref<10112x128xf32, #tpu.memory_space<vmem_shared>>
        tpu.enqueue_indirect_dma source(%arg9 : memref<128x128xf32, #tpu.memory_space<vmem>>) target(%dma_start3A_92 : memref<10112x128xf32, #tpu.memory_space<vmem_shared>>) offsets(%dma_start3A_89 : memref<128xi32, #tpu.memory_space<vmem>>) semaphore(%run_scoped3A : memref<!tpu.dma_semaphore, #tpu.memory_space<semaphore_mem>>) {add = true}
        %dma_wait3A_93 = arith.constant 0 : i32
        %dma_wait3A_94 = tpu.memref_slice %arg7[%add3A_79, %dma_wait3A_93] : memref<40x128xi32, #tpu.memory_space<vmem>> -> memref<1x128xi32, #tpu.memory_space<vmem>>
        %dma_wait3A_95 = tpu.memref_squeeze %dma_wait3A_94 : memref<1x128xi32, #tpu.memory_space<vmem>> -> memref<128xi32, #tpu.memory_space<vmem>>
        %dma_wait3A_96 = arith.constant 0 : i32
        %dma_wait3A_97 = arith.constant 0 : i32
        %dma_wait3A_98 = tpu.memref_slice %arg10[%dma_wait3A_96, %dma_wait3A_97] : memref<10112x128xf32, #tpu.memory_space<vmem_shared>> -> memref<10112x128xf32, #tpu.memory_space<vmem_shared>>
        tpu.wait_indirect_dma semaphore(%run_scoped3A : memref<!tpu.dma_semaphore, #tpu.memory_space<semaphore_mem>>) src(%arg9 : memref<128x128xf32, #tpu.memory_space<vmem>>) dst(%dma_wait3A_98 : memref<10112x128xf32, #tpu.memory_space<vmem_shared>>)
        tpu.yield
      }) : () -> ()
      %add3A_80 = arith.constant 3 : i32
      %add3A_81 = arith.addi %add3A_60, %add3A_80 : i32
      %lt3A_82 = arith.constant 40 : i32
      %lt3A_83 = arith.cmpi slt, %add3A_81, %lt3A_82 : i32
      %convert_element_type3A_84 = arith.extui %lt3A_83 : i1 to i32
      %cond3A_85 = arith.constant 0 : i32
      %cond3A_86 = arith.cmpi ne, %convert_element_type3A_84, %cond3A_85 : i32
      scf.if %cond3A_86 {
        %add3A_87 = arith.constant 3 : i32
        %add3A_88 = arith.addi %add3A_60, %add3A_87 : i32
        %dma_start3A_89 = arith.constant 0 : i32
        %dma_start3A_90 = tpu.memref_slice %arg6[%add3A_88, %dma_start3A_89] : memref<40x128xi32, #tpu.memory_space<vmem>> -> memref<1x128xi32, #tpu.memory_space<vmem>>
        %dma_start3A_91 = tpu.memref_squeeze %dma_start3A_90 : memref<1x128xi32, #tpu.memory_space<vmem>> -> memref<128xi32, #tpu.memory_space<vmem>>
        %dma_start3A_92 = arith.constant 0 : i32
        %dma_start3A_93 = arith.constant 0 : i32
        %dma_start3A_94 = tpu.memref_slice %arg2[%dma_start3A_92, %dma_start3A_93] : memref<10000x128xf32, #tpu.memory_space<hbm>> -> memref<10000x128xf32, #tpu.memory_space<hbm>>
        tpu.enqueue_indirect_dma source(%dma_start3A_94 : memref<10000x128xf32, #tpu.memory_space<hbm>>) target(%arg9 : memref<128x128xf32, #tpu.memory_space<vmem>>) offsets(%dma_start3A_91 : memref<128xi32, #tpu.memory_space<vmem>>) semaphore(%arg12 : memref<!tpu.dma_semaphore, #tpu.memory_space<semaphore_mem>>)
      } else {
      }
    }
    %scan3A_54 = arith.constant 20 : i32
    %barrier3A_55 = arith.constant 0 : index
    tpu.barrier barrier_id(%barrier3A_55)
    "tpu.region"() ({
      %run_scoped3A = tpu.sem_alloc : memref<!tpu.dma_semaphore, #tpu.memory_space<semaphore_mem>>
      %dma_start3A_56 = arith.constant 0 : i32
      %dma_start3A_57 = tpu.memref_slice %arg5[%arg0, %mul3A_7, %dma_start3A_56] : memref<2x10112x128xf32, #tpu.memory_space<hbm>> -> memref<1x632x128xf32, #tpu.memory_space<hbm>>
      %dma_start3A_58 = tpu.memref_squeeze %dma_start3A_57 : memref<1x632x128xf32, #tpu.memory_space<hbm>> -> memref<632x128xf32, #tpu.memory_space<hbm>>
      %dma_start3A_59 = arith.constant 0 : i32
      %dma_start3A_60 = tpu.memref_slice %arg10[%mul3A_7, %dma_start3A_59] : memref<10112x128xf32, #tpu.memory_space<vmem_shared>> -> memref<632x128xf32, #tpu.memory_space<vmem_shared>>
      tpu.enqueue_dma source(%dma_start3A_60 : memref<632x128xf32, #tpu.memory_space<vmem_shared>>) target(%dma_start3A_58 : memref<632x128xf32, #tpu.memory_space<hbm>>) target_semaphore(%run_scoped3A : memref<!tpu.dma_semaphore, #tpu.memory_space<semaphore_mem>>)
      %dma_wait3A = arith.constant 0 : i32
      %dma_wait3A_61 = tpu.memref_slice %arg5[%arg0, %mul3A_7, %dma_wait3A] : memref<2x10112x128xf32, #tpu.memory_space<hbm>> -> memref<1x632x128xf32, #tpu.memory_space<hbm>>
      %dma_wait3A_62 = tpu.memref_squeeze %dma_wait3A_61 : memref<1x632x128xf32, #tpu.memory_space<hbm>> -> memref<632x128xf32, #tpu.memory_space<hbm>>
      %dma_wait3A_63 = arith.constant 0 : i32
      %dma_wait3A_64 = tpu.memref_slice %arg10[%mul3A_7, %dma_wait3A_63] : memref<10112x128xf32, #tpu.memory_space<vmem_shared>> -> memref<632x128xf32, #tpu.memory_space<vmem_shared>>
      tpu.wait_dma2 semaphore(%run_scoped3A : memref<!tpu.dma_semaphore, #tpu.memory_space<semaphore_mem>>) src(%dma_wait3A_64 : memref<632x128xf32, #tpu.memory_space<vmem_shared>>) dst(%dma_wait3A_62 : memref<632x128xf32, #tpu.memory_space<hbm>>)
      tpu.yield
    }) : () -> ()
    return
  }
}

module attributes {stable_mosaic.version = 14 : i64} {
  func.func @_tc_mid_body(%arg0: i32, %arg1: memref<1x2000x128xf32, #tpu.memory_space<vmem>>, %arg2: memref<1x2000x128xf32, #tpu.memory_space<vmem>>, %arg3: memref<128x128xf32, #tpu.memory_space<vmem>>, %arg4: memref<1x128xf32, #tpu.memory_space<vmem>>, %arg5: memref<2000x128xf32, #tpu.memory_space<vmem>>) attributes {dimension_semantics = [#tpu.dimension_semantics<arbitrary>], iteration_bounds = array<i64: 5>, scalar_prefetch = 0 : i64, scratch_operands = 0 : i64, tpu.core_type = #tpu.core_type<tc>, window_params = [{transform_indices = @transform_0, window_bounds = array<i64: 1, 2000, 128>}, {transform_indices = @transform_1, window_bounds = array<i64: 1, 2000, 128>}, {pipeline_mode = #tpu.pipeline_mode<synchronous>, transform_indices = @transform_2, window_bounds = array<i64: 128, 128>}, {pipeline_mode = #tpu.pipeline_mode<synchronous>, transform_indices = @transform_3, window_bounds = array<i64: 1, 128>}, {transform_indices = @transform_4, window_bounds = array<i64: 2000, 128>}]} {
    %get3A = arith.constant 0 : index
    %get3A_0 = arith.constant 0 : index
    %get3A_1 = arith.constant 0 : index
    %get3A_2 = vector.load %arg1[%get3A, %get3A_0, %get3A_1] : memref<1x2000x128xf32, #tpu.memory_space<vmem>>, vector<1x2000x128xf32>
    %get3A_3 = vector.shape_cast %get3A_2 : vector<1x2000x128xf32> to vector<2000x128xf32>
    %get3A_4 = arith.constant 0 : index
    %get3A_5 = arith.constant 0 : index
    %get3A_6 = arith.constant 0 : index
    %get3A_7 = vector.load %arg2[%get3A_4, %get3A_5, %get3A_6] : memref<1x2000x128xf32, #tpu.memory_space<vmem>>, vector<1x2000x128xf32>
    %get3A_8 = vector.shape_cast %get3A_7 : vector<1x2000x128xf32> to vector<2000x128xf32>
    %add3A = arith.addf %get3A_3, %get3A_8 : vector<2000x128xf32>
    %get3A_9 = arith.constant 0 : index
    %get3A_10 = arith.constant 0 : index
    %get3A_11 = vector.load %arg3[%get3A_9, %get3A_10] : memref<128x128xf32, #tpu.memory_space<vmem>>, vector<128x128xf32>
    %dot_general3A = arith.constant dense<0.000000e+00> : vector<2000x128xf32>
    %dot_general3A_12 = tpu.matmul %add3A, %get3A_11, %dot_general3A {dimension_numbers = #tpu.dot_dimension_numbers<[1], [0], [0], [1], [0, 0, 1, 1], [], []>, transpose_lhs_hint = false} : vector<2000x128xf32>, vector<128x128xf32>, vector<2000x128xf32> -> vector<2000x128xf32>
    %get3A_13 = arith.constant 0 : index
    %get3A_14 = arith.constant 0 : index
    %get3A_15 = vector.load %arg4[%get3A_13, %get3A_14] : memref<1x128xf32, #tpu.memory_space<vmem>>, vector<1x128xf32>
    %add3A_16 = vector.broadcast %get3A_15 : vector<1x128xf32> to vector<2000x128xf32>
    %add3A_17 = arith.addf %dot_general3A_12, %add3A_16 : vector<2000x128xf32>
    %max3A = arith.constant 0.000000e+00 : f32
    %max3A_18 = vector.broadcast %max3A : f32 to vector<2000x128xf32>
    %max3A_19 = arith.maximumf %add3A_17, %max3A_18 : vector<2000x128xf32>
    %swap3A = arith.constant 0 : index
    %swap3A_20 = arith.constant 0 : index
    %swap3A_21 = vector.load %arg5[%swap3A, %swap3A_20] : memref<2000x128xf32, #tpu.memory_space<vmem>>, vector<2000x128xf32>
    tpu.vector_store %arg5[%swap3A, %swap3A_20], %max3A_19 {strides = array<i32>} : memref<2000x128xf32, #tpu.memory_space<vmem>>, vector<2000x128xf32>,
    return
  }
  func.func @transform_0(%arg0: i32) -> (i32, i32, i32) {
    %c0_i32 = arith.constant 0 : i32
    %c0_i32_0 = arith.constant 0 : i32
    %c0_i32_1 = arith.constant 0 : i32
    return %c0_i32, %arg0, %c0_i32_0 : i32, i32, i32
  }
  func.func @transform_1(%arg0: i32) -> (i32, i32, i32) {
    %c1_i32 = arith.constant 1 : i32
    %c0_i32 = arith.constant 0 : i32
    %c0_i32_0 = arith.constant 0 : i32
    return %c1_i32, %arg0, %c0_i32 : i32, i32, i32
  }
  func.func @transform_2(%arg0: i32) -> (i32, i32) {
    %c0_i32 = arith.constant 0 : i32
    %c0_i32_0 = arith.constant 0 : i32
    %c0_i32_1 = arith.constant 0 : i32
    return %c0_i32, %c0_i32_0 : i32, i32
  }
  func.func @transform_3(%arg0: i32) -> (i32, i32) {
    %c0_i32 = arith.constant 0 : i32
    %c0_i32_0 = arith.constant 0 : i32
    %c0_i32_1 = arith.constant 0 : i32
    return %c0_i32, %c0_i32_0 : i32, i32
  }
  func.func @transform_4(%arg0: i32) -> (i32, i32) {
    %c0_i32 = arith.constant 0 : i32
    %c0_i32_0 = arith.constant 0 : i32
    return %arg0, %c0_i32 : i32, i32
  }
}

module attributes {stable_mosaic.version = 14 : i64} {
  func.func @_tc_out_body(%arg0: i32, %arg1: memref<1x2000x128xf32, #tpu.memory_space<vmem>>, %arg2: memref<1x2000x128xf32, #tpu.memory_space<vmem>>, %arg3: memref<128x64xf32, #tpu.memory_space<vmem>>, %arg4: memref<1x64xf32, #tpu.memory_space<vmem>>, %arg5: memref<2000x64xf32, #tpu.memory_space<vmem>>) attributes {dimension_semantics = [#tpu.dimension_semantics<arbitrary>], iteration_bounds = array<i64: 5>, scalar_prefetch = 0 : i64, scratch_operands = 0 : i64, tpu.core_type = #tpu.core_type<tc>, window_params = [{transform_indices = @transform_0, window_bounds = array<i64: 1, 2000, 128>}, {transform_indices = @transform_1, window_bounds = array<i64: 1, 2000, 128>}, {pipeline_mode = #tpu.pipeline_mode<synchronous>, transform_indices = @transform_2, window_bounds = array<i64: 128, 64>}, {pipeline_mode = #tpu.pipeline_mode<synchronous>, transform_indices = @transform_3, window_bounds = array<i64: 1, 64>}, {transform_indices = @transform_4, window_bounds = array<i64: 2000, 64>}]} {
    %get3A = arith.constant 0 : index
    %get3A_0 = arith.constant 0 : index
    %get3A_1 = arith.constant 0 : index
    %get3A_2 = vector.load %arg1[%get3A, %get3A_0, %get3A_1] : memref<1x2000x128xf32, #tpu.memory_space<vmem>>, vector<1x2000x128xf32>
    %get3A_3 = vector.shape_cast %get3A_2 : vector<1x2000x128xf32> to vector<2000x128xf32>
    %get3A_4 = arith.constant 0 : index
    %get3A_5 = arith.constant 0 : index
    %get3A_6 = arith.constant 0 : index
    %get3A_7 = vector.load %arg2[%get3A_4, %get3A_5, %get3A_6] : memref<1x2000x128xf32, #tpu.memory_space<vmem>>, vector<1x2000x128xf32>
    %get3A_8 = vector.shape_cast %get3A_7 : vector<1x2000x128xf32> to vector<2000x128xf32>
    %add3A = arith.addf %get3A_3, %get3A_8 : vector<2000x128xf32>
    %get3A_9 = arith.constant 0 : index
    %get3A_10 = arith.constant 0 : index
    %get3A_11 = vector.load %arg3[%get3A_9, %get3A_10] : memref<128x64xf32, #tpu.memory_space<vmem>>, vector<128x64xf32>
    %dot_general3A = arith.constant dense<0.000000e+00> : vector<2000x64xf32>
    %dot_general3A_12 = tpu.matmul %add3A, %get3A_11, %dot_general3A {dimension_numbers = #tpu.dot_dimension_numbers<[1], [0], [0], [1], [0, 0, 1, 1], [], []>, transpose_lhs_hint = false} : vector<2000x128xf32>, vector<128x64xf32>, vector<2000x64xf32> -> vector<2000x64xf32>
    %get3A_13 = arith.constant 0 : index
    %get3A_14 = arith.constant 0 : index
    %get3A_15 = vector.load %arg4[%get3A_13, %get3A_14] : memref<1x64xf32, #tpu.memory_space<vmem>>, vector<1x64xf32>
    %add3A_16 = vector.broadcast %get3A_15 : vector<1x64xf32> to vector<2000x64xf32>
    %add3A_17 = arith.addf %dot_general3A_12, %add3A_16 : vector<2000x64xf32>
    %reduce_max3A = arith.constant dense<0xFF800000> : vector<2000xf32>
    %reduce_max3A_18 = vector.multi_reduction <maximumf>, %add3A_17, %reduce_max3A [1] : vector<2000x64xf32> to vector<2000xf32>
    %broadcast_in_dim3A = vector.shape_cast %reduce_max3A_18 : vector<2000xf32> to vector<2000x1xf32>
    %sub3A = vector.broadcast %broadcast_in_dim3A : vector<2000x1xf32> to vector<2000x64xf32>
    %sub3A_19 = arith.subf %add3A_17, %sub3A : vector<2000x64xf32>
    %exp3A = math.exp %sub3A_19 : vector<2000x64xf32>
    %reduce_sum3A = arith.constant dense<0.000000e+00> : vector<2000xf32>
    %reduce_sum3A_20 = vector.multi_reduction <add>, %exp3A, %reduce_sum3A [1] : vector<2000x64xf32> to vector<2000xf32>
    %broadcast_in_dim3A_21 = vector.shape_cast %reduce_sum3A_20 : vector<2000xf32> to vector<2000x1xf32>
    %log3A = math.log %broadcast_in_dim3A_21 : vector<2000x1xf32>
    %sub3A_22 = vector.broadcast %broadcast_in_dim3A : vector<2000x1xf32> to vector<2000x64xf32>
    %sub3A_23 = arith.subf %add3A_17, %sub3A_22 : vector<2000x64xf32>
    %sub3A_24 = vector.broadcast %log3A : vector<2000x1xf32> to vector<2000x64xf32>
    %sub3A_25 = arith.subf %sub3A_23, %sub3A_24 : vector<2000x64xf32>
    %swap3A = arith.constant 0 : index
    %swap3A_26 = arith.constant 0 : index
    %swap3A_27 = vector.load %arg5[%swap3A, %swap3A_26] : memref<2000x64xf32, #tpu.memory_space<vmem>>, vector<2000x64xf32>
    tpu.vector_store %arg5[%swap3A, %swap3A_26], %sub3A_25 {strides = array<i32>} : memref<2000x64xf32, #tpu.memory_space<vmem>>, vector<2000x64xf32>,
    return
  }
  func.func @transform_0(%arg0: i32) -> (i32, i32, i32) {
    %c0_i32 = arith.constant 0 : i32
    %c0_i32_0 = arith.constant 0 : i32
    %c0_i32_1 = arith.constant 0 : i32
    return %c0_i32, %arg0, %c0_i32_0 : i32, i32, i32
  }
  func.func @transform_1(%arg0: i32) -> (i32, i32, i32) {
    %c1_i32 = arith.constant 1 : i32
    %c0_i32 = arith.constant 0 : i32
    %c0_i32_0 = arith.constant 0 : i32
    return %c1_i32, %arg0, %c0_i32 : i32, i32, i32
  }
  func.func @transform_2(%arg0: i32) -> (i32, i32) {
    %c0_i32 = arith.constant 0 : i32
    %c0_i32_0 = arith.constant 0 : i32
    %c0_i32_1 = arith.constant 0 : i32
    return %c0_i32, %c0_i32_0 : i32, i32
  }
  func.func @transform_3(%arg0: i32) -> (i32, i32) {
    %c0_i32 = arith.constant 0 : i32
    %c0_i32_0 = arith.constant 0 : i32
    %c0_i32_1 = arith.constant 0 : i32
    return %c0_i32, %c0_i32_0 : i32, i32
  }
  func.func @transform_4(%arg0: i32) -> (i32, i32) {
    %c0_i32 = arith.constant 0 : i32
    %c0_i32_0 = arith.constant 0 : i32
    return %arg0, %c0_i32 : i32, i32
  }
}

</mosaic_0001>

<sc_bundles>
// kernel: kernel.6.cloned.1.call-start
scs
__scs_entry_jumppad:
0x0: {  	(pc) =	sbr.rel $0x88, $3  }
0x1: {  	(tag) =	ssettag $0x0;
	lr =	simm.s32 $0x1  }
0x2: {  	[smem:$0x3F9B] =	sst lr;
	_ =	strace $0xD0000000  }
0x3: {  	_ = 	snop  }
0x4: {  	_ = 	snop  }
0x5: {  	_ = 	snop  }
0x6: {  	_ = 	snop  }
0x7: {  	_ = 	snop  }
__scs_overlays_trampoline_lowered:
0x8: {  	[smem:$0x3FAA] =	sst s0  }
0x9: {  	[smem:$0x3FAB] =	sst s1  }
0xa: {  	[smem:$0x3FAC] =	sst s2  }
0xb: {  	[smem:$0x3FAD] =	sst s3  }
0xc: {  	[smem:$0x3FAE] =	sst s4  }
0xd: {  	[smem:$0x3FAF] =	sst s5  }
0xe: {  	[smem:$0x3FB0] =	sst s6  }
0xf: {  	[smem:$0x3FB1] =	sst s7  }
0x10: {  	[smem:$0x3FB2] =	sst s8  }
0x11: {  	[smem:$0x3FB3] =	sst s9;
	s0 =	simm.s32 @!p0 $0x0  }
0x12: {  	s1 =	sld [smem:$0x3F99];
	s0 =	simm.s32 @p0 $0x1  }
0x13: {  	[smem:$0x3FB4] =	sst s0;
	s0 =	simm.s32 @!p1 $0x0  }
0x14: {  	s2 =	sld [smem:$0x3F98];
	s0 =	simm.s32 @p1 $0x1  }
0x15: {  	[smem:$0x3FB5] =	sst s0;
	s0 =	simm.s32 @!p2 $0x0  }
0x16: {  	s3 =	sld [smem:$0x3FDB];
	s0 =	simm.s32 @p2 $0x1  }
0x17: {  	s4 =	simm.s32 $0x1BF5;
	[smem:$0x3FB7] =	sst s0  }
0x18: {  	s0 =	sld [smem:$0x3F9A];
	_ =	swait.ge [sflag:s4], $0x0  }
0x19: {  	s7 =	sld [smem:$0x3F9B]  }
0x1a: {  	s8 =	sadd.s32 $0xFFFFE003, lr  }
0x1b: {  	s9 =	sadd.s32 $0xFFFFFEF7, lr;
	s5 =	simm.s32 $0xFFFFFFFF;
	p2 =	slt.u32 s8, $0xFFFFF086  }
0x1c: {  	p1 =	slt.u32 s9, $0xF7A;
	s5 =	simm.s32 @!p2 $0x0  }
0x1d: {  	s5 =	simm.s32 @p1 $0x1;
	p0 =	seq.s32 s7, s2  }
0x1e: {  	s7 =	smul.u32 @!p0 $0xF7A, s2;
	p2 =	seq.s32 @!p0 s5, $0x0  }
0x1f: {  	s9 =	smul.u32 $0xF7A, s1;
	s8 =	simm.s32 @!p0 $0x1BF5;
	p2 =	por !p2, p0  }
0x20: {  	[sflag:s8] =	ssyncset.s32 @!p0 $0xFFFFF086;
	s6 =	sadd.s32 @!p0 s3, s7;
	s7 =	simm.s32 @!p0 $0x108  }
0x21: {  	s3 =	sadd.s32 s3, s9;
	s6 =	sadd.s32 @!p0 $0x88, s6;
	s7 =	simm.s32 @p2 $0x1082  }
0x22: {  	[simem:s7], [sflag:s8] =	dma.local @!p0 [hbm:s6], $0xF7A  }
0x23: {  	s9 =	sor.u32 $0xD0000000, s2;
	s6 =	simm.s32 $0x108;
	_ =	swait.ge @!p0 [sflag:s8], $0x0  }
0x24: {  	s3 =	sadd.s32 $0x88, s3;
	s6 =	simm.s32 @!p1 $0x1082;
	[sflag:s4] =	ssyncset.s32 $0xFFFFF086  }
0x25: {  	[simem:s6], [sflag:s4] =	dma.local [hbm:s3], $0xF7A  }
0x26: {  	[smem:$0x3F9B] =	sst s1;
	(tag) =	ssettag s2;
	_ =	strace s9  }
0x27: {  	s1 =	sld [smem:$0x3FAB]  }
0x28: {  	s2 =	sld [smem:$0x3FAC]  }
0x29: {  	s4 =	sld [smem:$0x3FAE]  }
0x2a: {  	p0 =	seq.s32 s5, $0x0;
	s5 =	sld [smem:$0x3FAF]  }
0x2b: {  	s6 =	sld [smem:$0x3FB0]  }
0x2c: {  	s7 =	sld [smem:$0x3FB1]  }
0x2d: {  	s3 =	simm.s32 $0x108;
	s8 =	sld [smem:$0x3FB2]  }
0x2e: {  	s3 =	simm.s32 @!p0 $0x1082;
	s9 =	sld [smem:$0x3FB3]  }
0x2f: {  	lr =	sadd.s32 s0, s3;
	s0 =	sld [smem:$0x3FAA]  }
0x30: {  	s3 =	sld [smem:$0x3FAD]  }
0x31: {  	[smem:$0x3FB6] =	sst s10  }
0x32: {  	s10 =	sld [smem:$0x3FB4];
	_ =	sdelay $0x3  }
0x33: {  	p0 =	seq.s32 s10, $0x1;
	s10 =	sld [smem:$0x3FB6];
	_ =	sdelay $0x3  }
0x34: {  	[smem:$0x3FB6] =	sst s10  }
0x35: {  	s10 =	sld [smem:$0x3FB5];
	_ =	sdelay $0x3  }
0x36: {  	p1 =	seq.s32 s10, $0x1;
	s10 =	sld [smem:$0x3FB6];
	_ =	sdelay $0x3  }
0x37: {  	[smem:$0x3FB6] =	sst s10  }
0x38: {  	s10 =	sld [smem:$0x3FB7]  }
0x39: {  	_ = 	snop;
	(pc) =	sbr.ind lr, $3  }
0x3a: {  	_ = 	snop  }
0x3b: {  	_ = 	snop  }
0x3c: {  	p2 =	seq.s32 s10, $0x1;
	s10 =	sld [smem:$0x3FB6]  }
0x3d: {  	_ =	shalt  }
0x3e: {  	_ =	shalt  }
0x3f: {  	_ =	shalt  }
0x40: {  	_ =	shalt  }
0x41: {  	_ =	shalt  }
0x42: {  	_ =	shalt  }
0x43: {  	_ =	shalt  }
0x44: {  	_ =	shalt  }
0x45: {  	_ =	shalt  }
0x46: {  	_ =	shalt  }
0x47: {  	_ =	shalt  }
0x48: {  	_ =	shalt  }
0x49: {  	_ =	shalt  }
0x4a: {  	_ =	shalt  }
0x4b: {  	_ =	shalt  }
0x4c: {  	_ =	shalt  }
0x4d: {  	_ =	shalt  }
0x4e: {  	_ =	shalt  }
0x4f: {  	_ =	shalt  }
0x50: {  	_ =	shalt  }
0x51: {  	_ =	shalt  }
0x52: {  	_ =	shalt  }
0x53: {  	_ =	shalt  }
0x54: {  	_ =	shalt  }
0x55: {  	_ =	shalt  }
0x56: {  	_ =	shalt  }
0x57: {  	_ =	shalt  }
0x58: {  	_ =	shalt  }
0x59: {  	_ =	shalt  }
0x5a: {  	_ =	shalt  }
0x5b: {  	_ =	shalt  }
0x5c: {  	_ =	shalt  }
0x5d: {  	_ =	shalt  }
0x5e: {  	_ =	shalt  }
0x5f: {  	_ =	shalt  }
0x60: {  	_ =	shalt  }
0x61: {  	_ =	shalt  }
0x62: {  	_ =	shalt  }
0x63: {  	_ =	shalt  }
0x64: {  	_ =	shalt  }
0x65: {  	_ =	shalt  }
0x66: {  	_ =	shalt  }
0x67: {  	_ =	shalt  }
0x68: {  	_ =	shalt  }
0x69: {  	_ =	shalt  }
0x6a: {  	_ =	shalt  }
0x6b: {  	_ =	shalt  }
0x6c: {  	_ =	shalt  }
0x6d: {  	_ =	shalt  }
0x6e: {  	_ =	shalt  }
0x6f: {  	_ =	shalt  }
0x70: {  	_ =	shalt  }
0x71: {  	_ =	shalt  }
0x72: {  	_ =	shalt  }
0x73: {  	_ =	shalt  }
0x74: {  	_ =	shalt  }
0x75: {  	_ =	shalt  }
0x76: {  	_ =	shalt  }
0x77: {  	_ =	shalt  }
0x78: {  	_ =	shalt  }
0x79: {  	_ =	shalt  }
0x7a: {  	_ =	shalt  }
0x7b: {  	_ =	shalt  }
0x7c: {  	_ =	shalt  }
0x7d: {  	_ =	shalt  }
0x7e: {  	_ =	shalt  }
0x7f: {  	_ =	shalt  }
0x80: {  	_ =	shalt  }
0x81: {  	_ =	shalt  }
0x82: {  	_ =	shalt  }
0x83: {  	_ =	shalt  }
0x84: {  	_ =	shalt  }
0x85: {  	_ =	shalt  }
0x86: {  	_ =	shalt  }
0x87: {  	_ =	shalt  }
.Lfunc_end0:
.L_simem_size_0:
called_computation_lowered:
.L_overlay_start_0:
0x88: {  	s2 =	sld [smem:$0x3FD9]  }
0x89: {  	s3 =	sld [smem:$0x3FFE];
	_ =	sdelay $0x1  }
0x8a: {  	s1 =	srdreg.scid  }
0x8b: {  	s0 =	sand.u32 $0x1, s1  }
0x8c: {  	s17 =	sshll.u32 s0, $0xA;
	s2 =	sadd.s32 s3, s2  }
0x8d: {  	s2 =	sadd.s32 s2, s17  }
0x8e: {  	[smem:$0x3FC2] =	sst s2  }
0x8f: {  	_ = 	snop  }
0x90: {  	s2 =	sld [smem:$0x3FC9]  }
0x91: {  	s18 =	sld [smem:$0x3FD0];
	(tm) =	ssettm $0x1  }
0x92: {  	s4 =	sld [smem:$0x3FFB];
	_ =	sdelay $0x3  }
0x93: {  	_ =	strace s4  }
0x94: {  	s4 =	sld [smem:$0x3FFC];
	_ =	sdelay $0x3  }
0x95: {  	_ =	strace s4  }
0x96: {  	s4 =	sld [smem:$0x3FFD];
	_ =	sdelay $0x3  }
0x97: {  	_ =	strace s4  }
0x98: {  	_ =	strace $0x8FFFFFFF  }
0x99: {  	s19 =	sld [smem:$0x3FDB];
	_ =	sdelay $0x1  }
0x9a: {  	s5 =	simm.s32 $_scs_section_size  }
0x9b: {  	s6 =	simm.s32 $_size__tile_overlayer_lowered;
	s7 =	simm.s32 $_tile_overlayer_lowered  }
0x9c: {  	s22 =	simm.s32 $0x1BFF;
	s21 =	sshll.u32 s7, $0x1;
	s4 =	sadd.s32 s5, s19  }
0x9d: {  	s8 =	simm.s32 $0x0;
	s20 =	sshll.u32 s6, $0x1;
	s6 =	sadd.s32 s21, s4  }
0x9e: {  	[timem:s8], [sflag:s22] =	dma.local [hbm:s6], s20  }
0x9f: {  	_ =	swait.ge [sflag:s22], s20  }
0xa0: {  	s5 =	ssub.s32 $0x0, s20;
	[sflag:s22] =	ssyncset.done $0x0  }
0xa1: {  	[sflag:s22] =	ssyncadd.s32 s5;
	_ =	sdelay $0x1  }
0xa2: {  	s23 =	simm.s32 $0x1B8B  }
0xa3: {  	_ =	swait.ge [sflag:s23], $0x1  }
0xa4: {  	[sflag:s23] =	ssyncset.done $0x0  }
0xa5: {  	s25 =	simm.s32 $0x1B8E;
	s24 =	sld [smem:$0x3FFE];
	[sflag:s23] =	ssyncadd.s32 $0xFFFFFFFF  }
0xa6: {  	s26 =	simm.s32 $execute0_lowered;
	[smem:$0x3FD2] =	sst s25  }
0xa7: {  	s6 =	sshll.u32 s26, $0x1;
	_ =	strace $0x80000046;
	[dreg:$0x1] =	wrdreg $0xFFFFFFFF  }
0xa8: {  	s28 =	simm.s32 $_size_execute0_lowered;
	s4 =	sadd.s32 s4, s6;
	[dreg:$0x0] =	wrdreg $0x0  }
0xa9: {  	s6 =	sshll.u32 s28, $0x1;
	[dreg:$0x2] =	wrdreg s4  }
0xaa: {  	[dreg:$0x3] =	wrdreg s6  }
0xab: {  	[dreg:$0x4] =	wrdreg $0xC0  }
0xac: {  	_ =	task [dreg:s8], $0x5FFFF  }
0xad: {  	[dreg:$0x1] =	wrdreg $0xFFFFFFFF  }
0xae: {  	[dreg:$0x0] =	wrdreg $0x60  }
0xaf: {  	[dreg:$0x2] =	wrdreg s2  }
0xb0: {  	[dreg:$0x3] =	wrdreg s18  }
0xb1: {  	[dreg:$0x4] =	wrdreg s24  }
0xb2: {  	[dreg:$0x5] =	wrdreg $0xA8000  }
0xb3: {  	[dreg:$0x6] =	wrdreg $0x9  }
0xb4: {  	_ =	task.clear_ibuf [dreg:s8], $0x7FFFF;
	_ =	strace $0x90000046  }
0xb5: {  	s29 =	simm.s32 $0x9;
	_ =	strace $0x80000048  }
0xb6: {  	_ =	swait.ge [sflag:s29], $0x1  }
0xb7: {  	[sflag:s29] =	ssyncadd.s32 $0xFFFFFFFF  }
0xb8: {  	_ =	strace $0x90000048  }
0xb9: {  	_ =	sfence  }
0xba: {  	s30 =	sld [smem:$0x0];
	_ =	sdelay $0x2  }
0xbb: {  	s31 =	sshll.u32 s1, $0xD;
	s1 =	sshrl.u32 s1, $0x2  }
0xbc: {  	s3 =	sand.u32 $0x4000, s31;
	s1 =	sadd.s32 s1, s30  }
0xbd: {  	s0 =	sor.u32 s3, s0;
	s1 =	sshll.u32 s1, $0x11  }
0xbe: {  	s0 =	sor.u32 s1, s0  }
0xbf: {  	s0 =	sadd.s32 $0x8F2B, s0  }
0xc0: {  	[sflag:s0] =	ssyncadd.remote.s32 $0x1  }
0xc1: {  	_ =	sfence.sel $0xFFFF  }
0xc2: {  	[dreg:$0x0] =	wrdreg $0xFFFFFFFF;
	(pc) =	sbr.abs _section_cstart, $3  }
0xc3: {  	[dreg:$0x1] =	wrdreg $0xFFFFFFFF  }
0xc4: {  	_ =	task.clear_ibuf [dreg:s8], $0x2FFFF;
	_ =	strace $0x9FFFFFFF  }
0xc5: {  	(tm) =	ssettm $0x7FFFFFFF  }
tec
execute0_lowered:
.L_overlay_start_1:
0x0: {  	(tag) =	ssettag $0x1  }
0x1: {  	s1 =	rddreg [dreg:$0x0]  }
0x2: {  	s12 =	rddreg [dreg:$0x1]  }
0x3: {  	s5 =	rddreg [dreg:$0x2]  }
0x4: {  	s2 =	rddreg [dreg:$0x3];
	s3 =	srdreg.scid  }
0x5: {  	s0 =	rddreg [dreg:$0x4];
	s4 =	simm.s32 $0x0;
	s17 =	simm.s32 $0x3  }
0x6: {  	s18 =	simm.s32 $0x1400;
	s19 =	simm.s32 $0x80;
	s20 =	simm.s32 $0x6800  }
0x7: {  	s21 =	simm.s32 $0x1;
	s22 =	simm.s32 $0x2;
	s6 =	sand.u32 $0x1, s3  }
0x8: {  	s23 =	simm.s32 $0x2700;
	s3 =	stileid.u32;
	s7 =	smul.u32 $0x13C000, s6  }
0x9: {  	s24 =	simm.s32 $0x2780;
	[smem:$0x7FF] =	sst s4;
	s8 =	smul.u32 $0x13C00, s3  }
0xa: {  	s31 =	sshll.u32 s6, $0x4;
	s9 =	smul.u32 $0x4F000, s3;
	s6 =	ssub.s32 $0x2, s6  }
0xb: {  	s13 =	sadd.s32 $0x1000, s5;
	_ =	strace $0x80000047;
	s10 =	sshrl.u32 s6, $0x1  }
0xc: {  	s7 =	sadd.s32 s8, s7;
	s8 =	sor.u32 s3, s31;
	s9 =	sshrl.u32 s9, $0x2  }
0xd: {  	s15 =	ssub.s32 s6, s10;
	s7 =	sshrl.u32 s7, $0x3;
	s8 =	smul.u32 $0x2800, s8  }
0xe: {  	s15 =	smax.u32 s15, $0x1;
	s14 =	sadd.s32 s7, s5;
	s5 =	sadd.s32 s9, s2  }
0xf: {  	s6 =	sadd.s32 $0x4000, s5;
	s7 =	sadd.s32 $0x8000, s5;
	s11 =	sshrl.u32 s8, $0x3  }
0x10: {  	s8 =	sadd.s32 $0xC000, s5;
	s9 =	sadd.s32 $0x10000, s5;
	s14 =	sadd.s32 $0xB000, s14  }
0x11: {  	s16 =	sadd.s32 $0x280, s11;
	s10 =	sadd.s32 s12, s11;
	s11 =	sadd.s32 s13, s11  }
0x12: {  	v0 =	vimm.f32 $0.0e+00;
	s12 =	sadd.s32 s12, s16;
	s13 =	sadd.s32 s13, s16;
	s16 =	simm.s32 $0x2800  }
.LBB2_1:
0x13: {  	s25 =	simm.s32 $0x0;
	s26 =	simm.s32 $0x200  }
.LBB2_2:
0x14: {  	p0 =	sne.s32 s26, $0xFE00;
	[tilespmem:s25+$0x2870] =	vst v0  }
0x15: {  	[tilespmem:s25+$0x2800] =	vst v0  }
0x16: {  	[tilespmem:s25+$0x2810] =	vst v0  }
.Ltmp0:
0x17: {  	[tilespmem:s25+$0x2820] =	vst v0;
	(pc) =	sbr.rel @p0 .LBB2_2-.Ltmp0, $4  }
0x18: {  	[tilespmem:s25+$0x2830] =	vst v0  }
0x19: {  	[tilespmem:s25+$0x2840] =	vst v0  }
0x1a: {  	[tilespmem:s25+$0x2850] =	vst v0  }
0x1b: {  	[tilespmem:s25+$0x2860] =	vst v0;
	s25 =	sshra.s32 s26, $0x2;
	s26 =	sadd.s32 $0x200, s26  }
0x1c: {  	[tilespmem:s25+$0x2870] =	vst v0  }
0x1d: {  	[tilespmem:s25+$0x2800] =	vst v0  }
0x1e: {  	[tilespmem:s25+$0x2810] =	vst v0  }
0x1f: {  	[tilespmem:s25+$0x2820] =	vst v0  }
0x20: {  	[tilespmem:s25+$0x2830] =	vst v0  }
0x21: {  	[tilespmem:s25+$0x2840] =	vst v0  }
0x22: {  	[tilespmem:s25+$0x2850] =	vst v0  }
0x23: {  	[tilespmem:s25+$0x2860] =	vst v0  }
0x24: {  	[spmem:s5] =	stream.linear.scatter [tilespmem:s16], [sflag:$0x3], $0x4000, $0x38;
	[tilespmem:$0x1E400] =	vst v63  }
0x25: {  	_ =	swait.ge [sflag:s17], $0x4000  }
0x26: {  	[sflag:s17] =	ssyncset.done $0x0  }
0x27: {  	[sflag:s17] =	ssyncadd.s32 $0xFFFFC000  }
0x28: {  	[spmem:s6] =	stream.linear.scatter [tilespmem:s16], [sflag:$0x3], $0x4000, $0x38;
	[tilespmem:$0x1E400] =	vst v63  }
0x29: {  	_ =	swait.ge [sflag:s17], $0x4000  }
0x2a: {  	[sflag:s17] =	ssyncset.done $0x0  }
0x2b: {  	[sflag:s17] =	ssyncadd.s32 $0xFFFFC000  }
0x2c: {  	[spmem:s7] =	stream.linear.scatter [tilespmem:s16], [sflag:$0x3], $0x4000, $0x38;
	[tilespmem:$0x1E400] =	vst v63  }
0x2d: {  	_ =	swait.ge [sflag:s17], $0x4000  }
0x2e: {  	[sflag:s17] =	ssyncset.done $0x0  }
0x2f: {  	[sflag:s17] =	ssyncadd.s32 $0xFFFFC000  }
0x30: {  	[spmem:s8] =	stream.linear.scatter [tilespmem:s16], [sflag:$0x3], $0x4000, $0x38;
	[tilespmem:$0x1E400] =	vst v63  }
0x31: {  	_ =	swait.ge [sflag:s17], $0x4000  }
0x32: {  	[sflag:s17] =	ssyncset.done $0x0  }
0x33: {  	[sflag:s17] =	ssyncadd.s32 $0xFFFFC000  }
0x34: {  	[spmem:s9] =	stream.linear.scatter [tilespmem:s16], [sflag:$0x3], $0x3C00, $0x38;
	[tilespmem:$0x1E400] =	vst v63  }
0x35: {  	_ =	swait.ge [sflag:s17], $0x3C00  }
0x36: {  	[sflag:s17] =	ssyncset.done $0x0  }
0x37: {  	[sflag:s17] =	ssyncadd.s32 $0xFFFFC400  }
0x38: {  	s28 =	simm.s32 $0x0;
	[bflag:$0x0] =	sbarrier.arrive $0xFFFF  }
0x39: {  	[tilespmem:s28], [sflag:$0x3] =	stream.linear.gather [hbm4b:s10+s28], $0x1400, $0x38;
	[tilespmem:$0x1E400] =	vst v63  }
0x3a: {  	_ =	swait.ge [sflag:s17], $0x1400  }
0x3b: {  	[sflag:s17] =	ssyncset.done $0x0  }
0x3c: {  	[sflag:s17] =	ssyncadd.s32 $0xFFFFEC00  }
0x3d: {  	[tilespmem:s18], [sflag:$0x3] =	stream.linear.gather [hbm4b:s11+s28], $0x1400, $0x38;
	[tilespmem:$0x1E400] =	vst v63  }
0x3e: {  	_ =	swait.ge [sflag:s17], $0x1400  }
0x3f: {  	[sflag:s17] =	ssyncset.done $0x0  }
0x40: {  	[sflag:s17] =	ssyncadd.s32 $0xFFFFEC00  }
0x41: {  	[tilespmem:s16], [sflag:$0x1] =	stream.indirect.gather [hbm4b:s1+s19], $0x80, s28, s19, $0xb8;
	[tilespmem:$0x1E400] =	vst v63  }
0x42: {  	_ = 	snop  }
0x43: {  	[tilespmem:s20], [sflag:$0x2] =	stream.indirect.gather [hbm4b:s1+s19], $0x80, s19, s19, $0xb8;
	[tilespmem:$0x1E400] =	vst v63  }
0x44: {  	_ =	swait.ge [sflag:s21], $0x4000  }
0x45: {  	[sflag:s21] =	ssyncset.done $0x0  }
0x46: {  	s29 =	simm.s32 $0x1400;
	[sflag:s21] =	ssyncadd.s32 $0xFFFFC000  }
0x47: {  	[spmem:s2] =	stream.indirect.scatter.add.f32 [tilespmem:s16], [sflag:$0x3], $0x80, s29, s19, $0xb8;
	[tilespmem:$0x1E400] =	vst v63  }
0x48: {  	_ =	swait.ge [sflag:s17], $0x4000  }
0x49: {  	[sflag:s17] =	ssyncset.done $0x0  }
0x4a: {  	s30 =	simm.s32 $0x100;
	[sflag:s17] =	ssyncadd.s32 $0xFFFFC000  }
0x4b: {  	[tilespmem:s16], [sflag:$0x1] =	stream.indirect.gather [hbm4b:s1+s19], $0x80, s30, s19, $0xb8;
	[tilespmem:$0x1E400] =	vst v63  }
0x4c: {  	_ =	swait.ge [sflag:s22], $0x4000  }
0x4d: {  	[sflag:s22] =	ssyncset.done $0x0  }
0x4e: {  	s31 =	simm.s32 $0x1480;
	[sflag:s22] =	ssyncadd.s32 $0xFFFFC000  }
0x4f: {  	[spmem:s2] =	stream.indirect.scatter.add.f32 [tilespmem:s20], [sflag:$0x3], $0x80, s31, s19, $0xb8;
	[tilespmem:$0x1E400] =	vst v63  }
0x50: {  	_ =	swait.ge [sflag:s17], $0x4000  }
0x51: {  	[sflag:s17] =	ssyncset.done $0x0  }
0x52: {  	s25 =	simm.s32 $0x400;
	s26 =	simm.s32 $0x180;
	[sflag:s17] =	ssyncadd.s32 $0xFFFFC000  }
.LBB2_4:
0x53: {  	[tilespmem:s20], [sflag:$0x2] =	stream.indirect.gather [hbm4b:s1+s19], $0x80, s26, s19, $0xb8;
	[tilespmem:$0x1E400] =	vst v63  }
0x54: {  	s26 =	smov.u32 s25  }
0x55: {  	p0 =	sne.s32 s25, $0x4800;
	s25 =	sadd.s32 $0x400, s25;
	_ =	swait.ge [sflag:s21], $0x4000  }
0x56: {  	s26 =	sshra.s32 s26, $0x2;
	[sflag:s21] =	ssyncset.done $0x0  }
0x57: {  	s28 =	sadd.s32 $0x1400, s26;
	[sflag:s21] =	ssyncadd.s32 $0xFFFFC000  }
0x58: {  	[spmem:s2] =	stream.indirect.scatter.add.f32 [tilespmem:s16], [sflag:$0x3], $0x80, s28, s19, $0xb8;
	[tilespmem:$0x1E400] =	vst v63  }
0x59: {  	_ =	swait.ge [sflag:s17], $0x4000  }
0x5a: {  	[sflag:s17] =	ssyncset.done $0x0  }
0x5b: {  	s28 =	sadd.s32 $0x100, s26;
	[sflag:s17] =	ssyncadd.s32 $0xFFFFC000  }
0x5c: {  	[tilespmem:s16], [sflag:$0x1] =	stream.indirect.gather [hbm4b:s1+s19], $0x80, s28, s19, $0xb8;
	[tilespmem:$0x1E400] =	vst v63  }
0x5d: {  	_ =	swait.ge [sflag:s22], $0x4000  }
0x5e: {  	[sflag:s22] =	ssyncset.done $0x0  }
.Ltmp1:
0x5f: {  	s28 =	sadd.s32 $0x1480, s26;
	[sflag:s22] =	ssyncadd.s32 $0xFFFFC000;
	(pc) =	sbr.rel @p0 .LBB2_4-.Ltmp1, $4  }
0x60: {  	[spmem:s2] =	stream.indirect.scatter.add.f32 [tilespmem:s20], [sflag:$0x3], $0x80, s28, s19, $0xb8;
	[tilespmem:$0x1E400] =	vst v63  }
0x61: {  	_ =	swait.ge [sflag:s17], $0x4000  }
0x62: {  	[sflag:s17] =	ssyncset.done $0x0  }
0x63: {  	s26 =	sadd.s32 $0x180, s26;
	[sflag:s17] =	ssyncadd.s32 $0xFFFFC000  }
0x64: {  	[tilespmem:s20], [sflag:$0x2] =	stream.indirect.gather [hbm4b:s1+s19], $0x80, s26, s19, $0xb8;
	[tilespmem:$0x1E400] =	vst v63  }
0x65: {  	_ =	swait.ge [sflag:s21], $0x4000  }
0x66: {  	[sflag:s21] =	ssyncset.done $0x0  }
0x67: {  	[sflag:s21] =	ssyncadd.s32 $0xFFFFC000  }
0x68: {  	[spmem:s2] =	stream.indirect.scatter.add.f32 [tilespmem:s16], [sflag:$0x3], $0x80, s23, s19, $0xb8;
	[tilespmem:$0x1E400] =	vst v63  }
0x69: {  	_ =	swait.ge [sflag:s17], $0x4000  }
0x6a: {  	[sflag:s17] =	ssyncset.done $0x0  }
0x6b: {  	[sflag:s17] =	ssyncadd.s32 $0xFFFFC000  }
0x6c: {  	_ =	swait.ge [sflag:s22], $0x4000  }
0x6d: {  	[sflag:s22] =	ssyncset.done $0x0  }
0x6e: {  	[sflag:s22] =	ssyncadd.s32 $0xFFFFC000  }
0x6f: {  	[spmem:s2] =	stream.indirect.scatter.add.f32 [tilespmem:s20], [sflag:$0x3], $0x80, s24, s19, $0xb8;
	[tilespmem:$0x1E400] =	vst v63  }
0x70: {  	_ =	swait.ge [sflag:s17], $0x4000  }
0x71: {  	[sflag:s17] =	ssyncset.done $0x0  }
0x72: {  	s25 =	simm.s32 $0x0;
	[sflag:s17] =	ssyncadd.s32 $0xFFFFC000  }
0x73: {  	[tilespmem:s25], [sflag:$0x3] =	stream.linear.gather [hbm4b:s12+s25], $0x1400, $0x38;
	[tilespmem:$0x1E400] =	vst v63  }
0x74: {  	_ =	swait.ge [sflag:s17], $0x1400  }
0x75: {  	[sflag:s17] =	ssyncset.done $0x0  }
0x76: {  	[sflag:s17] =	ssyncadd.s32 $0xFFFFEC00  }
0x77: {  	[tilespmem:s18], [sflag:$0x3] =	stream.linear.gather [hbm4b:s13+s25], $0x1400, $0x38;
	[tilespmem:$0x1E400] =	vst v63  }
0x78: {  	_ =	swait.ge [sflag:s17], $0x1400  }
0x79: {  	[sflag:s17] =	ssyncset.done $0x0  }
0x7a: {  	[sflag:s17] =	ssyncadd.s32 $0xFFFFEC00  }
0x7b: {  	[tilespmem:s16], [sflag:$0x1] =	stream.indirect.gather [hbm4b:s1+s19], $0x80, s25, s19, $0xb8;
	[tilespmem:$0x1E400] =	vst v63  }
0x7c: {  	_ = 	snop  }
0x7d: {  	[tilespmem:s20], [sflag:$0x2] =	stream.indirect.gather [hbm4b:s1+s19], $0x80, s19, s19, $0xb8;
	[tilespmem:$0x1E400] =	vst v63  }
0x7e: {  	_ =	swait.ge [sflag:s21], $0x4000  }
0x7f: {  	[sflag:s21] =	ssyncset.done $0x0  }
0x80: {  	s29 =	simm.s32 $0x1400;
	[sflag:s21] =	ssyncadd.s32 $0xFFFFC000  }
0x81: {  	[spmem:s2] =	stream.indirect.scatter.add.f32 [tilespmem:s16], [sflag:$0x3], $0x80, s29, s19, $0xb8;
	[tilespmem:$0x1E400] =	vst v63  }
0x82: {  	_ =	swait.ge [sflag:s17], $0x4000  }
0x83: {  	[sflag:s17] =	ssyncset.done $0x0  }
0x84: {  	s30 =	simm.s32 $0x100;
	[sflag:s17] =	ssyncadd.s32 $0xFFFFC000  }
0x85: {  	[tilespmem:s16], [sflag:$0x1] =	stream.indirect.gather [hbm4b:s1+s19], $0x80, s30, s19, $0xb8;
	[tilespmem:$0x1E400] =	vst v63  }
0x86: {  	_ =	swait.ge [sflag:s22], $0x4000  }
0x87: {  	[sflag:s22] =	ssyncset.done $0x0  }
0x88: {  	s31 =	simm.s32 $0x1480;
	[sflag:s22] =	ssyncadd.s32 $0xFFFFC000  }
0x89: {  	[spmem:s2] =	stream.indirect.scatter.add.f32 [tilespmem:s20], [sflag:$0x3], $0x80, s31, s19, $0xb8;
	[tilespmem:$0x1E400] =	vst v63  }
0x8a: {  	_ =	swait.ge [sflag:s17], $0x4000  }
0x8b: {  	[sflag:s17] =	ssyncset.done $0x0  }
0x8c: {  	s26 =	simm.s32 $0x180;
	s25 =	simm.s32 $0x400;
	[sflag:s17] =	ssyncadd.s32 $0xFFFFC000  }
.LBB2_6:
0x8d: {  	[tilespmem:s20], [sflag:$0x2] =	stream.indirect.gather [hbm4b:s1+s19], $0x80, s26, s19, $0xb8;
	[tilespmem:$0x1E400] =	vst v63  }
0x8e: {  	s26 =	smov.u32 s25  }
0x8f: {  	p0 =	sne.s32 s25, $0x4800;
	s25 =	sadd.s32 $0x400, s25;
	_ =	swait.ge [sflag:s21], $0x4000  }
0x90: {  	s26 =	sshra.s32 s26, $0x2;
	[sflag:s21] =	ssyncset.done $0x0  }
0x91: {  	s28 =	sadd.s32 $0x1400, s26;
	[sflag:s21] =	ssyncadd.s32 $0xFFFFC000  }
0x92: {  	[spmem:s2] =	stream.indirect.scatter.add.f32 [tilespmem:s16], [sflag:$0x3], $0x80, s28, s19, $0xb8;
	[tilespmem:$0x1E400] =	vst v63  }
0x93: {  	_ =	swait.ge [sflag:s17], $0x4000  }
0x94: {  	[sflag:s17] =	ssyncset.done $0x0  }
0x95: {  	s28 =	sadd.s32 $0x100, s26;
	[sflag:s17] =	ssyncadd.s32 $0xFFFFC000  }
0x96: {  	[tilespmem:s16], [sflag:$0x1] =	stream.indirect.gather [hbm4b:s1+s19], $0x80, s28, s19, $0xb8;
	[tilespmem:$0x1E400] =	vst v63  }
0x97: {  	_ =	swait.ge [sflag:s22], $0x4000  }
0x98: {  	[sflag:s22] =	ssyncset.done $0x0  }
.Ltmp2:
0x99: {  	s28 =	sadd.s32 $0x1480, s26;
	[sflag:s22] =	ssyncadd.s32 $0xFFFFC000;
	(pc) =	sbr.rel @p0 .LBB2_6-.Ltmp2, $4  }
0x9a: {  	[spmem:s2] =	stream.indirect.scatter.add.f32 [tilespmem:s20], [sflag:$0x3], $0x80, s28, s19, $0xb8;
	[tilespmem:$0x1E400] =	vst v63  }
0x9b: {  	_ =	swait.ge [sflag:s17], $0x4000  }
0x9c: {  	[sflag:s17] =	ssyncset.done $0x0  }
0x9d: {  	s26 =	sadd.s32 $0x180, s26;
	[sflag:s17] =	ssyncadd.s32 $0xFFFFC000  }
0x9e: {  	[tilespmem:s20], [sflag:$0x2] =	stream.indirect.gather [hbm4b:s1+s19], $0x80, s26, s19, $0xb8;
	[tilespmem:$0x1E400] =	vst v63  }
0x9f: {  	_ =	swait.ge [sflag:s21], $0x4000  }
0xa0: {  	[sflag:s21] =	ssyncset.done $0x0  }
0xa1: {  	[sflag:s21] =	ssyncadd.s32 $0xFFFFC000  }
0xa2: {  	[spmem:s2] =	stream.indirect.scatter.add.f32 [tilespmem:s16], [sflag:$0x3], $0x80, s23, s19, $0xb8;
	[tilespmem:$0x1E400] =	vst v63  }
0xa3: {  	_ =	swait.ge [sflag:s17], $0x4000  }
0xa4: {  	[sflag:s17] =	ssyncset.done $0x0  }
0xa5: {  	[sflag:s17] =	ssyncadd.s32 $0xFFFFC000  }
0xa6: {  	_ =	swait.ge [sflag:s22], $0x4000  }
0xa7: {  	[sflag:s22] =	ssyncset.done $0x0  }
0xa8: {  	[sflag:s22] =	ssyncadd.s32 $0xFFFFC000  }
0xa9: {  	[spmem:s2] =	stream.indirect.scatter.add.f32 [tilespmem:s20], [sflag:$0x3], $0x80, s24, s19, $0xb8;
	[tilespmem:$0x1E400] =	vst v63  }
0xaa: {  	_ =	swait.ge [sflag:s17], $0x4000  }
0xab: {  	s25 =	sshll.u32 s3, $0x6;
	s4 =	sadd.s32 $0x1, s4;
	[sflag:s17] =	ssyncset.done $0x0  }
0xac: {  	s31 =	sshrl.u32 s5, $0x3;
	p0 =	sne.s32 s4, s15;
	[sflag:s17] =	ssyncadd.s32 $0xFFFFC000  }
.Ltmp3:
0xad: {  	s25 =	sor.u32 $0x1C03, s25;
	[bflag:$0x0] =	sbarrier.arrive $0xFFFF;
	(pc) =	sbr.rel @p0 .LBB2_1-.Ltmp3, $4  }
0xae: {  	[hbm:s14], [sflag:s25] =	dma.local [spmem:s31], $0x2780  }
0xaf: {  	_ =	swait.ge [sflag:s17], $0x2780  }
0xb0: {  	[sflag:s17] =	ssyncset.done $0x0  }
0xb1: {  	[sflag:s17] =	ssyncadd.s32 $0xFFFFD880  }
0xb2: {  	_ =	sfence.sel $0x180000  }
0xb3: {  	[bflag:$0x0] =	sbarrier.arrive $0xFFFF  }
0xb4: {  	p0 =	sne.s32 s3, $0x0;
	_ =	strace $0x90000047  }
0xb5: {  	s0 =	sadd.s32 @!p0 $0x100000, s0;
	[bflag:$0x2] =	sbarrier.arrive $0xFFFF  }
0xb6: {  	[sflag:s0] =	ssyncadd.tile.s32 @!p0 $0x1;
	_ =	shalt  }
.Lfunc_end2:
_tile_overlayer_lowered:
.L_overlay_start_2:
0xb7: {  	(tag) =	ssettag $0x2  }
0xb8: {  	s0 =	rddreg [dreg:$0x0];
	s2 =	stileid.u32  }
0xb9: {  	s1 =	rddreg [dreg:$0x1];
	p0 =	sne.s32 s2, $0x0  }
0xba: {  	s3 =	rddreg [dreg:$0x2];
	[bflag:$0x3] =	sbarrier.arrive $0xFFFF;
	s2 =	simm.s32 @!p0 $0x1C03  }
0xbb: {  	[timem:s3], [sflag:s2] =	dma.local @!p0 [hbm:s0], s1  }
0xbc: {  	s0 =	simm.s32 @!p0 $0x3  }
0xbd: {  	_ =	swait.ge @!p0 [sflag:s0], s1  }
0xbe: {  	s1 =	ssub.s32 @!p0 $0x0, s1;
	[sflag:s0] =	ssyncset.done @!p0 $0x0  }
0xbf: {  	[sflag:s0] =	ssyncadd.s32 @!p0 s1  }
0xc0: {  	[bflag:$0x3] =	sbarrier.arrive $0xFFFF  }
0xc1: {  	_ =	shalt  }

// kernel: kernel.9.cloned.1.call-start
scs
__scs_entry_jumppad:
0x0: {  	(pc) =	sbr.rel $0x88, $3  }
0x1: {  	(tag) =	ssettag $0x0;
	lr =	simm.s32 $0x1  }
0x2: {  	[smem:$0x3F9B] =	sst lr;
	_ =	strace $0xD0000000  }
0x3: {  	_ = 	snop  }
0x4: {  	_ = 	snop  }
0x5: {  	_ = 	snop  }
0x6: {  	_ = 	snop  }
0x7: {  	_ = 	snop  }
__scs_overlays_trampoline_lowered:
0x8: {  	[smem:$0x3FAA] =	sst s0  }
0x9: {  	[smem:$0x3FAB] =	sst s1  }
0xa: {  	[smem:$0x3FAC] =	sst s2  }
0xb: {  	[smem:$0x3FAD] =	sst s3  }
0xc: {  	[smem:$0x3FAE] =	sst s4  }
0xd: {  	[smem:$0x3FAF] =	sst s5  }
0xe: {  	[smem:$0x3FB0] =	sst s6  }
0xf: {  	[smem:$0x3FB1] =	sst s7  }
0x10: {  	[smem:$0x3FB2] =	sst s8  }
0x11: {  	[smem:$0x3FB3] =	sst s9;
	s0 =	simm.s32 @!p0 $0x0  }
0x12: {  	s1 =	sld [smem:$0x3F99];
	s0 =	simm.s32 @p0 $0x1  }
0x13: {  	[smem:$0x3FB4] =	sst s0;
	s0 =	simm.s32 @!p1 $0x0  }
0x14: {  	s2 =	sld [smem:$0x3F98];
	s0 =	simm.s32 @p1 $0x1  }
0x15: {  	[smem:$0x3FB5] =	sst s0;
	s0 =	simm.s32 @!p2 $0x0  }
0x16: {  	s3 =	sld [smem:$0x3FDB];
	s0 =	simm.s32 @p2 $0x1  }
0x17: {  	s4 =	simm.s32 $0x1BF5;
	[smem:$0x3FB7] =	sst s0  }
0x18: {  	s0 =	sld [smem:$0x3F9A];
	_ =	swait.ge [sflag:s4], $0x0  }
0x19: {  	s7 =	sld [smem:$0x3F9B]  }
0x1a: {  	s8 =	sadd.s32 $0xFFFFE003, lr  }
0x1b: {  	s9 =	sadd.s32 $0xFFFFFEF7, lr;
	s5 =	simm.s32 $0xFFFFFFFF;
	p2 =	slt.u32 s8, $0xFFFFF086  }
0x1c: {  	p1 =	slt.u32 s9, $0xF7A;
	s5 =	simm.s32 @!p2 $0x0  }
0x1d: {  	s5 =	simm.s32 @p1 $0x1;
	p0 =	seq.s32 s7, s2  }
0x1e: {  	s7 =	smul.u32 @!p0 $0xF7A, s2;
	p2 =	seq.s32 @!p0 s5, $0x0  }
0x1f: {  	s9 =	smul.u32 $0xF7A, s1;
	s8 =	simm.s32 @!p0 $0x1BF5;
	p2 =	por !p2, p0  }
0x20: {  	[sflag:s8] =	ssyncset.s32 @!p0 $0xFFFFF086;
	s6 =	sadd.s32 @!p0 s3, s7;
	s7 =	simm.s32 @!p0 $0x108  }
0x21: {  	s3 =	sadd.s32 s3, s9;
	s6 =	sadd.s32 @!p0 $0x88, s6;
	s7 =	simm.s32 @p2 $0x1082  }
0x22: {  	[simem:s7], [sflag:s8] =	dma.local @!p0 [hbm:s6], $0xF7A  }
0x23: {  	s9 =	sor.u32 $0xD0000000, s2;
	s6 =	simm.s32 $0x108;
	_ =	swait.ge @!p0 [sflag:s8], $0x0  }
0x24: {  	s3 =	sadd.s32 $0x88, s3;
	s6 =	simm.s32 @!p1 $0x1082;
	[sflag:s4] =	ssyncset.s32 $0xFFFFF086  }
0x25: {  	[simem:s6], [sflag:s4] =	dma.local [hbm:s3], $0xF7A  }
0x26: {  	[smem:$0x3F9B] =	sst s1;
	(tag) =	ssettag s2;
	_ =	strace s9  }
0x27: {  	s1 =	sld [smem:$0x3FAB]  }
0x28: {  	s2 =	sld [smem:$0x3FAC]  }
0x29: {  	s4 =	sld [smem:$0x3FAE]  }
0x2a: {  	p0 =	seq.s32 s5, $0x0;
	s5 =	sld [smem:$0x3FAF]  }
0x2b: {  	s6 =	sld [smem:$0x3FB0]  }
0x2c: {  	s7 =	sld [smem:$0x3FB1]  }
0x2d: {  	s3 =	simm.s32 $0x108;
	s8 =	sld [smem:$0x3FB2]  }
0x2e: {  	s3 =	simm.s32 @!p0 $0x1082;
	s9 =	sld [smem:$0x3FB3]  }
0x2f: {  	lr =	sadd.s32 s0, s3;
	s0 =	sld [smem:$0x3FAA]  }
0x30: {  	s3 =	sld [smem:$0x3FAD]  }
0x31: {  	[smem:$0x3FB6] =	sst s10  }
0x32: {  	s10 =	sld [smem:$0x3FB4];
	_ =	sdelay $0x3  }
0x33: {  	p0 =	seq.s32 s10, $0x1;
	s10 =	sld [smem:$0x3FB6];
	_ =	sdelay $0x3  }
0x34: {  	[smem:$0x3FB6] =	sst s10  }
0x35: {  	s10 =	sld [smem:$0x3FB5];
	_ =	sdelay $0x3  }
0x36: {  	p1 =	seq.s32 s10, $0x1;
	s10 =	sld [smem:$0x3FB6];
	_ =	sdelay $0x3  }
0x37: {  	[smem:$0x3FB6] =	sst s10  }
0x38: {  	s10 =	sld [smem:$0x3FB7]  }
0x39: {  	_ = 	snop;
	(pc) =	sbr.ind lr, $3  }
0x3a: {  	_ = 	snop  }
0x3b: {  	_ = 	snop  }
0x3c: {  	p2 =	seq.s32 s10, $0x1;
	s10 =	sld [smem:$0x3FB6]  }
0x3d: {  	_ =	shalt  }
0x3e: {  	_ =	shalt  }
0x3f: {  	_ =	shalt  }
0x40: {  	_ =	shalt  }
0x41: {  	_ =	shalt  }
0x42: {  	_ =	shalt  }
0x43: {  	_ =	shalt  }
0x44: {  	_ =	shalt  }
0x45: {  	_ =	shalt  }
0x46: {  	_ =	shalt  }
0x47: {  	_ =	shalt  }
0x48: {  	_ =	shalt  }
0x49: {  	_ =	shalt  }
0x4a: {  	_ =	shalt  }
0x4b: {  	_ =	shalt  }
0x4c: {  	_ =	shalt  }
0x4d: {  	_ =	shalt  }
0x4e: {  	_ =	shalt  }
0x4f: {  	_ =	shalt  }
0x50: {  	_ =	shalt  }
0x51: {  	_ =	shalt  }
0x52: {  	_ =	shalt  }
0x53: {  	_ =	shalt  }
0x54: {  	_ =	shalt  }
0x55: {  	_ =	shalt  }
0x56: {  	_ =	shalt  }
0x57: {  	_ =	shalt  }
0x58: {  	_ =	shalt  }
0x59: {  	_ =	shalt  }
0x5a: {  	_ =	shalt  }
0x5b: {  	_ =	shalt  }
0x5c: {  	_ =	shalt  }
0x5d: {  	_ =	shalt  }
0x5e: {  	_ =	shalt  }
0x5f: {  	_ =	shalt  }
0x60: {  	_ =	shalt  }
0x61: {  	_ =	shalt  }
0x62: {  	_ =	shalt  }
0x63: {  	_ =	shalt  }
0x64: {  	_ =	shalt  }
0x65: {  	_ =	shalt  }
0x66: {  	_ =	shalt  }
0x67: {  	_ =	shalt  }
0x68: {  	_ =	shalt  }
0x69: {  	_ =	shalt  }
0x6a: {  	_ =	shalt  }
0x6b: {  	_ =	shalt  }
0x6c: {  	_ =	shalt  }
0x6d: {  	_ =	shalt  }
0x6e: {  	_ =	shalt  }
0x6f: {  	_ =	shalt  }
0x70: {  	_ =	shalt  }
0x71: {  	_ =	shalt  }
0x72: {  	_ =	shalt  }
0x73: {  	_ =	shalt  }
0x74: {  	_ =	shalt  }
0x75: {  	_ =	shalt  }
0x76: {  	_ =	shalt  }
0x77: {  	_ =	shalt  }
0x78: {  	_ =	shalt  }
0x79: {  	_ =	shalt  }
0x7a: {  	_ =	shalt  }
0x7b: {  	_ =	shalt  }
0x7c: {  	_ =	shalt  }
0x7d: {  	_ =	shalt  }
0x7e: {  	_ =	shalt  }
0x7f: {  	_ =	shalt  }
0x80: {  	_ =	shalt  }
0x81: {  	_ =	shalt  }
0x82: {  	_ =	shalt  }
0x83: {  	_ =	shalt  }
0x84: {  	_ =	shalt  }
0x85: {  	_ =	shalt  }
0x86: {  	_ =	shalt  }
0x87: {  	_ =	shalt  }
.Lfunc_end0:
.L_simem_size_0:
called_computation.1_lowered:
.L_overlay_start_0:
0x88: {  	s2 =	sld [smem:$0x3FD9]  }
0x89: {  	s3 =	sld [smem:$0x3FFE];
	_ =	sdelay $0x1  }
0x8a: {  	s1 =	srdreg.scid  }
0x8b: {  	s0 =	sand.u32 $0x1, s1  }
0x8c: {  	s17 =	sshll.u32 s0, $0xA;
	s2 =	sadd.s32 s3, s2  }
0x8d: {  	s2 =	sadd.s32 s2, s17  }
0x8e: {  	[smem:$0x3FC2] =	sst s2  }
0x8f: {  	_ = 	snop  }
0x90: {  	s2 =	sld [smem:$0x3FD0];
	(tm) =	ssettm $0x1  }
0x91: {  	s18 =	sld [smem:$0x3FFB];
	_ =	sdelay $0x3  }
0x92: {  	_ =	strace s18  }
0x93: {  	s3 =	sld [smem:$0x3FFC];
	_ =	sdelay $0x3  }
0x94: {  	_ =	strace s3  }
0x95: {  	s3 =	sld [smem:$0x3FFD];
	_ =	sdelay $0x3  }
0x96: {  	_ =	strace s3  }
0x97: {  	_ =	strace $0x8FFFFFFF  }
0x98: {  	s19 =	sld [smem:$0x3FDB];
	_ =	sdelay $0x1  }
0x99: {  	s4 =	simm.s32 $_scs_section_size  }
0x9a: {  	s5 =	simm.s32 $_size__tile_overlayer_lowered;
	s6 =	simm.s32 $_tile_overlayer_lowered  }
0x9b: {  	s22 =	simm.s32 $0x1BFF;
	s21 =	sshll.u32 s6, $0x1;
	s3 =	sadd.s32 s4, s19  }
0x9c: {  	s7 =	simm.s32 $0x0;
	s20 =	sshll.u32 s5, $0x1;
	s5 =	sadd.s32 s21, s3  }
0x9d: {  	[timem:s7], [sflag:s22] =	dma.local [hbm:s5], s20  }
0x9e: {  	_ =	swait.ge [sflag:s22], s20  }
0x9f: {  	s4 =	ssub.s32 $0x0, s20;
	[sflag:s22] =	ssyncset.done $0x0  }
0xa0: {  	[sflag:s22] =	ssyncadd.s32 s4;
	_ =	sdelay $0x1  }
0xa1: {  	s23 =	simm.s32 $0x1B8B  }
0xa2: {  	_ =	swait.ge [sflag:s23], $0x1  }
0xa3: {  	[sflag:s23] =	ssyncset.done $0x0  }
0xa4: {  	s25 =	simm.s32 $0x1B8E;
	s24 =	sld [smem:$0x3FFE];
	[sflag:s23] =	ssyncadd.s32 $0xFFFFFFFF  }
0xa5: {  	s26 =	simm.s32 $execute0_lowered;
	[smem:$0x3FD2] =	sst s25  }
0xa6: {  	s5 =	sshll.u32 s26, $0x1;
	_ =	strace $0x80000049;
	[dreg:$0x1] =	wrdreg $0xFFFFFFFF  }
0xa7: {  	s28 =	simm.s32 $_size_execute0_lowered;
	s3 =	sadd.s32 s3, s5;
	[dreg:$0x0] =	wrdreg $0x0  }
0xa8: {  	s5 =	sshll.u32 s28, $0x1;
	[dreg:$0x2] =	wrdreg s3  }
0xa9: {  	[dreg:$0x3] =	wrdreg s5  }
0xaa: {  	[dreg:$0x4] =	wrdreg $0xC0  }
0xab: {  	_ =	task [dreg:s7], $0x5FFFF  }
0xac: {  	[dreg:$0x1] =	wrdreg $0xFFFFFFFF  }
0xad: {  	[dreg:$0x0] =	wrdreg $0x60  }
0xae: {  	[dreg:$0x2] =	wrdreg s24  }
0xaf: {  	[dreg:$0x3] =	wrdreg s2  }
0xb0: {  	[dreg:$0x4] =	wrdreg $0xA8000  }
0xb1: {  	[dreg:$0x5] =	wrdreg $0x9  }
0xb2: {  	_ =	task.clear_ibuf [dreg:s7], $0x6FFFF;
	_ =	strace $0x90000049  }
0xb3: {  	s29 =	simm.s32 $0x9;
	_ =	strace $0x8000004B  }
0xb4: {  	_ =	swait.ge [sflag:s29], $0x1  }
0xb5: {  	[sflag:s29] =	ssyncadd.s32 $0xFFFFFFFF  }
0xb6: {  	_ =	strace $0x9000004B  }
0xb7: {  	_ =	sfence  }
0xb8: {  	s30 =	sld [smem:$0x0];
	_ =	sdelay $0x2  }
0xb9: {  	s31 =	sshll.u32 s1, $0xD;
	s1 =	sshrl.u32 s1, $0x2  }
0xba: {  	s3 =	sand.u32 $0x4000, s31;
	s1 =	sadd.s32 s1, s30  }
0xbb: {  	s0 =	sor.u32 s3, s0;
	s1 =	sshll.u32 s1, $0x11  }
0xbc: {  	s0 =	sor.u32 s1, s0  }
0xbd: {  	s0 =	sadd.s32 $0x8F2B, s0  }
0xbe: {  	[sflag:s0] =	ssyncadd.remote.s32 $0x1  }
0xbf: {  	_ =	sfence.sel $0xFFFF  }
0xc0: {  	[dreg:$0x0] =	wrdreg $0xFFFFFFFF;
	(pc) =	sbr.abs _section_cstart, $3  }
0xc1: {  	[dreg:$0x1] =	wrdreg $0xFFFFFFFF  }
0xc2: {  	_ =	task.clear_ibuf [dreg:s7], $0x2FFFF;
	_ =	strace $0x9FFFFFFF  }
0xc3: {  	(tm) =	ssettm $0x7FFFFFFF  }
tec
execute0_lowered:
.L_overlay_start_1:
0x0: {  	(tag) =	ssettag $0x1  }
0x1: {  	s5 =	rddreg [dreg:$0x0]  }
0x2: {  	s12 =	rddreg [dreg:$0x1]  }
0x3: {  	s1 =	rddreg [dreg:$0x2]  }
0x4: {  	s2 =	srdreg.scid;
	s0 =	rddreg [dreg:$0x3]  }
0x5: {  	s3 =	simm.s32 $0x0;
	s17 =	simm.s32 $0x3;
	s18 =	simm.s32 $0x1400  }
0x6: {  	s19 =	simm.s32 $0x80;
	s20 =	simm.s32 $0x6800;
	s21 =	simm.s32 $0x1  }
0x7: {  	s22 =	simm.s32 $0x2;
	s23 =	simm.s32 $0x2700;
	s6 =	sand.u32 $0x1, s2  }
0x8: {  	s24 =	simm.s32 $0x2780;
	s2 =	stileid.u32;
	s7 =	smul.u32 $0x13C000, s6  }
0x9: {  	[smem:$0x7FF] =	sst s3;
	s4 =	sadd.s32 $0xB000, s5;
	s8 =	smul.u32 $0x13C00, s2  }
0xa: {  	s31 =	sshll.u32 s6, $0x4;
	s9 =	smul.u32 $0x4F000, s2;
	s6 =	ssub.s32 $0x2, s6  }
0xb: {  	s13 =	sadd.s32 $0x1000, s5;
	_ =	strace $0x8000004A;
	s10 =	sshrl.u32 s6, $0x1  }
0xc: {  	s7 =	sadd.s32 s8, s7;
	s8 =	sor.u32 s2, s31;
	s9 =	sshrl.u32 s9, $0x2  }
0xd: {  	s15 =	ssub.s32 s6, s10;
	s7 =	sshrl.u32 s7, $0x3;
	s8 =	smul.u32 $0x2800, s8  }
0xe: {  	s15 =	smax.u32 s15, $0x1;
	s14 =	sadd.s32 s7, s5;
	s5 =	sadd.s32 s9, s1  }
0xf: {  	s6 =	sadd.s32 $0x4000, s5;
	s7 =	sadd.s32 $0x8000, s5;
	s11 =	sshrl.u32 s8, $0x3  }
0x10: {  	s8 =	sadd.s32 $0xC000, s5;
	s9 =	sadd.s32 $0x10000, s5;
	s14 =	sadd.s32 $0x32200, s14  }
0x11: {  	s16 =	sadd.s32 $0x280, s11;
	s10 =	sadd.s32 s12, s11;
	s11 =	sadd.s32 s13, s11  }
0x12: {  	v0 =	vimm.f32 $0.0e+00;
	s12 =	sadd.s32 s12, s16;
	s13 =	sadd.s32 s13, s16;
	s16 =	simm.s32 $0x2800  }
.LBB2_1:
0x13: {  	s25 =	simm.s32 $0x0;
	s26 =	simm.s32 $0x200  }
.LBB2_2:
0x14: {  	p0 =	sne.s32 s26, $0xFE00;
	[tilespmem:s25+$0x2870] =	vst v0  }
0x15: {  	[tilespmem:s25+$0x2800] =	vst v0  }
0x16: {  	[tilespmem:s25+$0x2810] =	vst v0  }
.Ltmp0:
0x17: {  	[tilespmem:s25+$0x2820] =	vst v0;
	(pc) =	sbr.rel @p0 .LBB2_2-.Ltmp0, $4  }
0x18: {  	[tilespmem:s25+$0x2830] =	vst v0  }
0x19: {  	[tilespmem:s25+$0x2840] =	vst v0  }
0x1a: {  	[tilespmem:s25+$0x2850] =	vst v0  }
0x1b: {  	[tilespmem:s25+$0x2860] =	vst v0;
	s25 =	sshra.s32 s26, $0x2;
	s26 =	sadd.s32 $0x200, s26  }
0x1c: {  	[tilespmem:s25+$0x2870] =	vst v0  }
0x1d: {  	[tilespmem:s25+$0x2800] =	vst v0  }
0x1e: {  	[tilespmem:s25+$0x2810] =	vst v0  }
0x1f: {  	[tilespmem:s25+$0x2820] =	vst v0  }
0x20: {  	[tilespmem:s25+$0x2830] =	vst v0  }
0x21: {  	[tilespmem:s25+$0x2840] =	vst v0  }
0x22: {  	[tilespmem:s25+$0x2850] =	vst v0  }
0x23: {  	[tilespmem:s25+$0x2860] =	vst v0  }
0x24: {  	[spmem:s5] =	stream.linear.scatter [tilespmem:s16], [sflag:$0x3], $0x4000, $0x38;
	[tilespmem:$0x1E400] =	vst v63  }
0x25: {  	_ =	swait.ge [sflag:s17], $0x4000  }
0x26: {  	[sflag:s17] =	ssyncset.done $0x0  }
0x27: {  	[sflag:s17] =	ssyncadd.s32 $0xFFFFC000  }
0x28: {  	[spmem:s6] =	stream.linear.scatter [tilespmem:s16], [sflag:$0x3], $0x4000, $0x38;
	[tilespmem:$0x1E400] =	vst v63  }
0x29: {  	_ =	swait.ge [sflag:s17], $0x4000  }
0x2a: {  	[sflag:s17] =	ssyncset.done $0x0  }
0x2b: {  	[sflag:s17] =	ssyncadd.s32 $0xFFFFC000  }
0x2c: {  	[spmem:s7] =	stream.linear.scatter [tilespmem:s16], [sflag:$0x3], $0x4000, $0x38;
	[tilespmem:$0x1E400] =	vst v63  }
0x2d: {  	_ =	swait.ge [sflag:s17], $0x4000  }
0x2e: {  	[sflag:s17] =	ssyncset.done $0x0  }
0x2f: {  	[sflag:s17] =	ssyncadd.s32 $0xFFFFC000  }
0x30: {  	[spmem:s8] =	stream.linear.scatter [tilespmem:s16], [sflag:$0x3], $0x4000, $0x38;
	[tilespmem:$0x1E400] =	vst v63  }
0x31: {  	_ =	swait.ge [sflag:s17], $0x4000  }
0x32: {  	[sflag:s17] =	ssyncset.done $0x0  }
0x33: {  	[sflag:s17] =	ssyncadd.s32 $0xFFFFC000  }
0x34: {  	[spmem:s9] =	stream.linear.scatter [tilespmem:s16], [sflag:$0x3], $0x3C00, $0x38;
	[tilespmem:$0x1E400] =	vst v63  }
0x35: {  	_ =	swait.ge [sflag:s17], $0x3C00  }
0x36: {  	[sflag:s17] =	ssyncset.done $0x0  }
0x37: {  	[sflag:s17] =	ssyncadd.s32 $0xFFFFC400  }
0x38: {  	s28 =	simm.s32 $0x0;
	[bflag:$0x0] =	sbarrier.arrive $0xFFFF  }
0x39: {  	[tilespmem:s28], [sflag:$0x3] =	stream.linear.gather [hbm4b:s10+s28], $0x1400, $0x38;
	[tilespmem:$0x1E400] =	vst v63  }
0x3a: {  	_ =	swait.ge [sflag:s17], $0x1400  }
0x3b: {  	[sflag:s17] =	ssyncset.done $0x0  }
0x3c: {  	[sflag:s17] =	ssyncadd.s32 $0xFFFFEC00  }
0x3d: {  	[tilespmem:s18], [sflag:$0x3] =	stream.linear.gather [hbm4b:s11+s28], $0x1400, $0x38;
	[tilespmem:$0x1E400] =	vst v63  }
0x3e: {  	_ =	swait.ge [sflag:s17], $0x1400  }
0x3f: {  	[sflag:s17] =	ssyncset.done $0x0  }
0x40: {  	[sflag:s17] =	ssyncadd.s32 $0xFFFFEC00  }
0x41: {  	[tilespmem:s16], [sflag:$0x1] =	stream.indirect.gather [hbm4b:s4+s19], $0x80, s28, s19, $0xb8;
	[tilespmem:$0x1E400] =	vst v63  }
0x42: {  	_ = 	snop  }
0x43: {  	[tilespmem:s20], [sflag:$0x2] =	stream.indirect.gather [hbm4b:s4+s19], $0x80, s19, s19, $0xb8;
	[tilespmem:$0x1E400] =	vst v63  }
0x44: {  	_ =	swait.ge [sflag:s21], $0x4000  }
0x45: {  	[sflag:s21] =	ssyncset.done $0x0  }
0x46: {  	s29 =	simm.s32 $0x1400;
	[sflag:s21] =	ssyncadd.s32 $0xFFFFC000  }
0x47: {  	[spmem:s1] =	stream.indirect.scatter.add.f32 [tilespmem:s16], [sflag:$0x3], $0x80, s29, s19, $0xb8;
	[tilespmem:$0x1E400] =	vst v63  }
0x48: {  	_ =	swait.ge [sflag:s17], $0x4000  }
0x49: {  	[sflag:s17] =	ssyncset.done $0x0  }
0x4a: {  	s30 =	simm.s32 $0x100;
	[sflag:s17] =	ssyncadd.s32 $0xFFFFC000  }
0x4b: {  	[tilespmem:s16], [sflag:$0x1] =	stream.indirect.gather [hbm4b:s4+s19], $0x80, s30, s19, $0xb8;
	[tilespmem:$0x1E400] =	vst v63  }
0x4c: {  	_ =	swait.ge [sflag:s22], $0x4000  }
0x4d: {  	[sflag:s22] =	ssyncset.done $0x0  }
0x4e: {  	s31 =	simm.s32 $0x1480;
	[sflag:s22] =	ssyncadd.s32 $0xFFFFC000  }
0x4f: {  	[spmem:s1] =	stream.indirect.scatter.add.f32 [tilespmem:s20], [sflag:$0x3], $0x80, s31, s19, $0xb8;
	[tilespmem:$0x1E400] =	vst v63  }
0x50: {  	_ =	swait.ge [sflag:s17], $0x4000  }
0x51: {  	[sflag:s17] =	ssyncset.done $0x0  }
0x52: {  	s25 =	simm.s32 $0x400;
	s26 =	simm.s32 $0x180;
	[sflag:s17] =	ssyncadd.s32 $0xFFFFC000  }
.LBB2_4:
0x53: {  	[tilespmem:s20], [sflag:$0x2] =	stream.indirect.gather [hbm4b:s4+s19], $0x80, s26, s19, $0xb8;
	[tilespmem:$0x1E400] =	vst v63  }
0x54: {  	s26 =	smov.u32 s25  }
0x55: {  	p0 =	sne.s32 s25, $0x4800;
	s25 =	sadd.s32 $0x400, s25;
	_ =	swait.ge [sflag:s21], $0x4000  }
0x56: {  	s26 =	sshra.s32 s26, $0x2;
	[sflag:s21] =	ssyncset.done $0x0  }
0x57: {  	s28 =	sadd.s32 $0x1400, s26;
	[sflag:s21] =	ssyncadd.s32 $0xFFFFC000  }
0x58: {  	[spmem:s1] =	stream.indirect.scatter.add.f32 [tilespmem:s16], [sflag:$0x3], $0x80, s28, s19, $0xb8;
	[tilespmem:$0x1E400] =	vst v63  }
0x59: {  	_ =	swait.ge [sflag:s17], $0x4000  }
0x5a: {  	[sflag:s17] =	ssyncset.done $0x0  }
0x5b: {  	s28 =	sadd.s32 $0x100, s26;
	[sflag:s17] =	ssyncadd.s32 $0xFFFFC000  }
0x5c: {  	[tilespmem:s16], [sflag:$0x1] =	stream.indirect.gather [hbm4b:s4+s19], $0x80, s28, s19, $0xb8;
	[tilespmem:$0x1E400] =	vst v63  }
0x5d: {  	_ =	swait.ge [sflag:s22], $0x4000  }
0x5e: {  	[sflag:s22] =	ssyncset.done $0x0  }
.Ltmp1:
0x5f: {  	s28 =	sadd.s32 $0x1480, s26;
	[sflag:s22] =	ssyncadd.s32 $0xFFFFC000;
	(pc) =	sbr.rel @p0 .LBB2_4-.Ltmp1, $4  }
0x60: {  	[spmem:s1] =	stream.indirect.scatter.add.f32 [tilespmem:s20], [sflag:$0x3], $0x80, s28, s19, $0xb8;
	[tilespmem:$0x1E400] =	vst v63  }
0x61: {  	_ =	swait.ge [sflag:s17], $0x4000  }
0x62: {  	[sflag:s17] =	ssyncset.done $0x0  }
0x63: {  	s26 =	sadd.s32 $0x180, s26;
	[sflag:s17] =	ssyncadd.s32 $0xFFFFC000  }
0x64: {  	[tilespmem:s20], [sflag:$0x2] =	stream.indirect.gather [hbm4b:s4+s19], $0x80, s26, s19, $0xb8;
	[tilespmem:$0x1E400] =	vst v63  }
0x65: {  	_ =	swait.ge [sflag:s21], $0x4000  }
0x66: {  	[sflag:s21] =	ssyncset.done $0x0  }
0x67: {  	[sflag:s21] =	ssyncadd.s32 $0xFFFFC000  }
0x68: {  	[spmem:s1] =	stream.indirect.scatter.add.f32 [tilespmem:s16], [sflag:$0x3], $0x80, s23, s19, $0xb8;
	[tilespmem:$0x1E400] =	vst v63  }
0x69: {  	_ =	swait.ge [sflag:s17], $0x4000  }
0x6a: {  	[sflag:s17] =	ssyncset.done $0x0  }
0x6b: {  	[sflag:s17] =	ssyncadd.s32 $0xFFFFC000  }
0x6c: {  	_ =	swait.ge [sflag:s22], $0x4000  }
0x6d: {  	[sflag:s22] =	ssyncset.done $0x0  }
0x6e: {  	[sflag:s22] =	ssyncadd.s32 $0xFFFFC000  }
0x6f: {  	[spmem:s1] =	stream.indirect.scatter.add.f32 [tilespmem:s20], [sflag:$0x3], $0x80, s24, s19, $0xb8;
	[tilespmem:$0x1E400] =	vst v63  }
0x70: {  	_ =	swait.ge [sflag:s17], $0x4000  }
0x71: {  	[sflag:s17] =	ssyncset.done $0x0  }
0x72: {  	s25 =	simm.s32 $0x0;
	[sflag:s17] =	ssyncadd.s32 $0xFFFFC000  }
0x73: {  	[tilespmem:s25], [sflag:$0x3] =	stream.linear.gather [hbm4b:s12+s25], $0x1400, $0x38;
	[tilespmem:$0x1E400] =	vst v63  }
0x74: {  	_ =	swait.ge [sflag:s17], $0x1400  }
0x75: {  	[sflag:s17] =	ssyncset.done $0x0  }
0x76: {  	[sflag:s17] =	ssyncadd.s32 $0xFFFFEC00  }
0x77: {  	[tilespmem:s18], [sflag:$0x3] =	stream.linear.gather [hbm4b:s13+s25], $0x1400, $0x38;
	[tilespmem:$0x1E400] =	vst v63  }
0x78: {  	_ =	swait.ge [sflag:s17], $0x1400  }
0x79: {  	[sflag:s17] =	ssyncset.done $0x0  }
0x7a: {  	[sflag:s17] =	ssyncadd.s32 $0xFFFFEC00  }
0x7b: {  	[tilespmem:s16], [sflag:$0x1] =	stream.indirect.gather [hbm4b:s4+s19], $0x80, s25, s19, $0xb8;
	[tilespmem:$0x1E400] =	vst v63  }
0x7c: {  	_ = 	snop  }
0x7d: {  	[tilespmem:s20], [sflag:$0x2] =	stream.indirect.gather [hbm4b:s4+s19], $0x80, s19, s19, $0xb8;
	[tilespmem:$0x1E400] =	vst v63  }
0x7e: {  	_ =	swait.ge [sflag:s21], $0x4000  }
0x7f: {  	[sflag:s21] =	ssyncset.done $0x0  }
0x80: {  	s29 =	simm.s32 $0x1400;
	[sflag:s21] =	ssyncadd.s32 $0xFFFFC000  }
0x81: {  	[spmem:s1] =	stream.indirect.scatter.add.f32 [tilespmem:s16], [sflag:$0x3], $0x80, s29, s19, $0xb8;
	[tilespmem:$0x1E400] =	vst v63  }
0x82: {  	_ =	swait.ge [sflag:s17], $0x4000  }
0x83: {  	[sflag:s17] =	ssyncset.done $0x0  }
0x84: {  	s30 =	simm.s32 $0x100;
	[sflag:s17] =	ssyncadd.s32 $0xFFFFC000  }
0x85: {  	[tilespmem:s16], [sflag:$0x1] =	stream.indirect.gather [hbm4b:s4+s19], $0x80, s30, s19, $0xb8;
	[tilespmem:$0x1E400] =	vst v63  }
0x86: {  	_ =	swait.ge [sflag:s22], $0x4000  }
0x87: {  	[sflag:s22] =	ssyncset.done $0x0  }
0x88: {  	s31 =	simm.s32 $0x1480;
	[sflag:s22] =	ssyncadd.s32 $0xFFFFC000  }
0x89: {  	[spmem:s1] =	stream.indirect.scatter.add.f32 [tilespmem:s20], [sflag:$0x3], $0x80, s31, s19, $0xb8;
	[tilespmem:$0x1E400] =	vst v63  }
0x8a: {  	_ =	swait.ge [sflag:s17], $0x4000  }
0x8b: {  	[sflag:s17] =	ssyncset.done $0x0  }
0x8c: {  	s26 =	simm.s32 $0x180;
	s25 =	simm.s32 $0x400;
	[sflag:s17] =	ssyncadd.s32 $0xFFFFC000  }
.LBB2_6:
0x8d: {  	[tilespmem:s20], [sflag:$0x2] =	stream.indirect.gather [hbm4b:s4+s19], $0x80, s26, s19, $0xb8;
	[tilespmem:$0x1E400] =	vst v63  }
0x8e: {  	s26 =	smov.u32 s25  }
0x8f: {  	p0 =	sne.s32 s25, $0x4800;
	s25 =	sadd.s32 $0x400, s25;
	_ =	swait.ge [sflag:s21], $0x4000  }
0x90: {  	s26 =	sshra.s32 s26, $0x2;
	[sflag:s21] =	ssyncset.done $0x0  }
0x91: {  	s28 =	sadd.s32 $0x1400, s26;
	[sflag:s21] =	ssyncadd.s32 $0xFFFFC000  }
0x92: {  	[spmem:s1] =	stream.indirect.scatter.add.f32 [tilespmem:s16], [sflag:$0x3], $0x80, s28, s19, $0xb8;
	[tilespmem:$0x1E400] =	vst v63  }
0x93: {  	_ =	swait.ge [sflag:s17], $0x4000  }
0x94: {  	[sflag:s17] =	ssyncset.done $0x0  }
0x95: {  	s28 =	sadd.s32 $0x100, s26;
	[sflag:s17] =	ssyncadd.s32 $0xFFFFC000  }
0x96: {  	[tilespmem:s16], [sflag:$0x1] =	stream.indirect.gather [hbm4b:s4+s19], $0x80, s28, s19, $0xb8;
	[tilespmem:$0x1E400] =	vst v63  }
0x97: {  	_ =	swait.ge [sflag:s22], $0x4000  }
0x98: {  	[sflag:s22] =	ssyncset.done $0x0  }
.Ltmp2:
0x99: {  	s28 =	sadd.s32 $0x1480, s26;
	[sflag:s22] =	ssyncadd.s32 $0xFFFFC000;
	(pc) =	sbr.rel @p0 .LBB2_6-.Ltmp2, $4  }
0x9a: {  	[spmem:s1] =	stream.indirect.scatter.add.f32 [tilespmem:s20], [sflag:$0x3], $0x80, s28, s19, $0xb8;
	[tilespmem:$0x1E400] =	vst v63  }
0x9b: {  	_ =	swait.ge [sflag:s17], $0x4000  }
0x9c: {  	[sflag:s17] =	ssyncset.done $0x0  }
0x9d: {  	s26 =	sadd.s32 $0x180, s26;
	[sflag:s17] =	ssyncadd.s32 $0xFFFFC000  }
0x9e: {  	[tilespmem:s20], [sflag:$0x2] =	stream.indirect.gather [hbm4b:s4+s19], $0x80, s26, s19, $0xb8;
	[tilespmem:$0x1E400] =	vst v63  }
0x9f: {  	_ =	swait.ge [sflag:s21], $0x4000  }
0xa0: {  	[sflag:s21] =	ssyncset.done $0x0  }
0xa1: {  	[sflag:s21] =	ssyncadd.s32 $0xFFFFC000  }
0xa2: {  	[spmem:s1] =	stream.indirect.scatter.add.f32 [tilespmem:s16], [sflag:$0x3], $0x80, s23, s19, $0xb8;
	[tilespmem:$0x1E400] =	vst v63  }
0xa3: {  	_ =	swait.ge [sflag:s17], $0x4000  }
0xa4: {  	[sflag:s17] =	ssyncset.done $0x0  }
0xa5: {  	[sflag:s17] =	ssyncadd.s32 $0xFFFFC000  }
0xa6: {  	_ =	swait.ge [sflag:s22], $0x4000  }
0xa7: {  	[sflag:s22] =	ssyncset.done $0x0  }
0xa8: {  	[sflag:s22] =	ssyncadd.s32 $0xFFFFC000  }
0xa9: {  	[spmem:s1] =	stream.indirect.scatter.add.f32 [tilespmem:s20], [sflag:$0x3], $0x80, s24, s19, $0xb8;
	[tilespmem:$0x1E400] =	vst v63  }
0xaa: {  	_ =	swait.ge [sflag:s17], $0x4000  }
0xab: {  	s25 =	sshll.u32 s2, $0x6;
	s3 =	sadd.s32 $0x1, s3;
	[sflag:s17] =	ssyncset.done $0x0  }
0xac: {  	s31 =	sshrl.u32 s5, $0x3;
	p0 =	sne.s32 s3, s15;
	[sflag:s17] =	ssyncadd.s32 $0xFFFFC000  }
.Ltmp3:
0xad: {  	s25 =	sor.u32 $0x1C03, s25;
	[bflag:$0x0] =	sbarrier.arrive $0xFFFF;
	(pc) =	sbr.rel @p0 .LBB2_1-.Ltmp3, $4  }
0xae: {  	[hbm:s14], [sflag:s25] =	dma.local [spmem:s31], $0x2780  }
0xaf: {  	_ =	swait.ge [sflag:s17], $0x2780  }
0xb0: {  	[sflag:s17] =	ssyncset.done $0x0  }
0xb1: {  	[sflag:s17] =	ssyncadd.s32 $0xFFFFD880  }
0xb2: {  	_ =	sfence.sel $0x180000  }
0xb3: {  	[bflag:$0x0] =	sbarrier.arrive $0xFFFF  }
0xb4: {  	p0 =	sne.s32 s2, $0x0;
	_ =	strace $0x9000004A  }
0xb5: {  	s0 =	sadd.s32 @!p0 $0x100000, s0;
	[bflag:$0x2] =	sbarrier.arrive $0xFFFF  }
0xb6: {  	[sflag:s0] =	ssyncadd.tile.s32 @!p0 $0x1;
	_ =	shalt  }
.Lfunc_end2:
_tile_overlayer_lowered:
.L_overlay_start_2:
0xb7: {  	(tag) =	ssettag $0x2  }
0xb8: {  	s0 =	rddreg [dreg:$0x0];
	s2 =	stileid.u32  }
0xb9: {  	s1 =	rddreg [dreg:$0x1];
	p0 =	sne.s32 s2, $0x0  }
0xba: {  	s3 =	rddreg [dreg:$0x2];
	[bflag:$0x3] =	sbarrier.arrive $0xFFFF;
	s2 =	simm.s32 @!p0 $0x1C03  }
0xbb: {  	[timem:s3], [sflag:s2] =	dma.local @!p0 [hbm:s0], s1  }
0xbc: {  	s0 =	simm.s32 @!p0 $0x3  }
0xbd: {  	_ =	swait.ge @!p0 [sflag:s0], s1  }
0xbe: {  	s1 =	ssub.s32 @!p0 $0x0, s1;
	[sflag:s0] =	ssyncset.done @!p0 $0x0  }
0xbf: {  	[sflag:s0] =	ssyncadd.s32 @!p0 s1  }
0xc0: {  	[bflag:$0x3] =	sbarrier.arrive $0xFFFF  }
0xc1: {  	_ =	shalt  }

</sc_bundles>
